<compile_context>
chip_gen: v7x
topology: tpu7x:2x2x1
jax: 0.10.2.dev20260603
libtpu: 0.0.44.dev20260713+nightly
codegen_flags: <defaults>
</compile_context>

<pallas_src>
import functools

import jax
import jax.numpy as jnp
from jax import lax
from jax.experimental import pallas as pl
from jax.experimental.pallas import tpu as pltpu
from jax.experimental.pallas import tpu_sc as plsc

_ALPHA = 0.8
_N_ROWS = 16384
_N_COLS = 128
_N_IDX = 8192

_ROW_BLK = 8192
_GRID = _N_ROWS // _ROW_BLK

_NC = 2
_NS = 16
_NW = _NC * _NS
_LANES = 16
_IDX_BLK = 128
_IDX_ROWS = _N_IDX // _IDX_BLK
_ROWS_PER_TILE = _IDX_ROWS // _NW
_HIST_SLICE = _N_ROWS // _NS


_W_ROWS = _N_ROWS // _N_COLS
_SUB = _ROW_BLK // _N_COLS


def _rowsum_body(inp_ref, tgt_ref, out_ref):
    ones = jnp.ones((1, _N_COLS), jnp.float32)
    for k in range(_SUB):
        d = (inp_ref[pl.ds(k * _N_COLS, _N_COLS), :]
             - tgt_ref[pl.ds(k * _N_COLS, _N_COLS), :])
        out_ref[pl.ds(k, 1), :] = jax.lax.dot_general(
            ones, d * d, (((1,), (1,)), ((), ())),
            preferred_element_type=jnp.float32)


_rowsum_call = pl.pallas_call(
    _rowsum_body,
    grid=(_GRID,),
    in_specs=[
        pl.BlockSpec((_ROW_BLK, _N_COLS), lambda i: (i, 0)),
        pl.BlockSpec((_ROW_BLK, _N_COLS), lambda i: (i, 0)),
    ],
    out_specs=pl.BlockSpec((_SUB, _N_COLS), lambda i: (i, 0)),
    out_shape=jax.ShapeDtypeStruct((_W_ROWS, _N_COLS), jnp.float32),
)

def _sc_hist_body(one_hbm, zero_hbm, w_hbm,
                  idx1_v, idx0_v, vals1_v, vals0_v, zeros_v, hist_s):
    cid = lax.axis_index("c")
    sid = lax.axis_index("s")

    pltpu.sync_copy(one_hbm.at[pl.ds(sid * _ROWS_PER_TILE * _NC
                                     + cid * _ROWS_PER_TILE, _ROWS_PER_TILE)],
                    idx1_v)
    pltpu.sync_copy(zero_hbm.at[pl.ds(sid * _ROWS_PER_TILE * _NC
                                      + cid * _ROWS_PER_TILE, _ROWS_PER_TILE)],
                    idx0_v)

    w1 = jnp.full((_LANES,), 1.0 - _ALPHA, jnp.float32)
    w0 = jnp.full((_LANES,), _ALPHA, jnp.float32)
    zv = jnp.zeros((_LANES,), jnp.float32)

    def fill(i, carry):
        vals1_v[pl.ds(i * _LANES, _LANES)] = w1
        vals0_v[pl.ds(i * _LANES, _LANES)] = w0
        return carry

    lax.fori_loop(0, _IDX_BLK // _LANES, fill, jnp.int32(0))

    def zero_fill(i, carry):
        zeros_v[pl.ds(i * _LANES, _LANES)] = zv
        return carry

    lax.fori_loop(0, _HIST_SLICE // _LANES, zero_fill, jnp.int32(0))

    pltpu.sync_copy(zeros_v, hist_s.at[pl.ds(sid * _HIST_SLICE, _HIST_SLICE)])
    plsc.subcore_barrier()

    for r in range(_ROWS_PER_TILE):
        pltpu.sync_copy(vals1_v, hist_s.at[idx1_v.at[r]], add=True)
        pltpu.sync_copy(vals0_v, hist_s.at[idx0_v.at[r]], add=True)
    plsc.subcore_barrier()

    pltpu.sync_copy(hist_s.at[pl.ds(sid * _HIST_SLICE, _HIST_SLICE)],
                    w_hbm.at[cid, pl.ds(sid * _HIST_SLICE, _HIST_SLICE)])


_sc_hist_call = functools.partial(
    pl.kernel,
    mesh=plsc.VectorSubcoreMesh(core_axis_name="c", subcore_axis_name="s"),
    out_type=jax.ShapeDtypeStruct((_NC, _N_ROWS), jnp.float32),
    scratch_types=[
        pltpu.VMEM((_ROWS_PER_TILE, _IDX_BLK), jnp.int32),
        pltpu.VMEM((_ROWS_PER_TILE, _IDX_BLK), jnp.int32),
        pltpu.VMEM((_IDX_BLK,), jnp.float32),
        pltpu.VMEM((_IDX_BLK,), jnp.float32),
        pltpu.VMEM((_HIST_SLICE,), jnp.float32),
        pltpu.VMEM_SHARED((_N_ROWS,), jnp.float32),
    ],
    compiler_params=pltpu.CompilerParams(needs_layout_passes=False),
)(_sc_hist_body)


def _dot_body(w_ref, r_ref, out_ref):
    w = (w_ref[0, :].reshape(_W_ROWS, _N_COLS)
         + w_ref[1, :].reshape(_W_ROWS, _N_COLS))
    out_ref[...] = jnp.sum(w * r_ref[...]).reshape(1, 1)


_dot_call = pl.pallas_call(
    _dot_body,
    out_shape=jax.ShapeDtypeStruct((1, 1), jnp.float32),
)


def kernel(one_index, zero_index, target, input):
    one2 = one_index.reshape(_IDX_ROWS, _IDX_BLK)
    zero2 = zero_index.reshape(_IDX_ROWS, _IDX_BLK)
    rowsum = _rowsum_call(input, target)
    weights = _sc_hist_call(one2, zero2)
    loss = _dot_call(weights, rowsum)
    return loss[0, 0]

# --- scband reference (transcript-rebuilt; emitter-appended) ---
"""Pipeline reference for scband-myloss-39522289058321 (READ-ONLY COPY).

The authoritative reference and input builder live on the scoring server;
editing this copy changes nothing except your own understanding.
"""

import jax, jax.numpy as jnp
import numpy as np

ALPHA = 0.8

def setup_inputs(seed: int = 0) -> dict:
    key = jax.random.key(seed)
    k1, k2, k3, k4 = jax.random.split(key, 4)
    one_index = jax.random.randint(k1, (8192,), 0, 16384, dtype=jnp.int64 if jax.config.jax_enable_x64 else jnp.int32).astype(jnp.int32)
    zero_index = jax.random.randint(k2, (8192,), 0, 16384, dtype=jnp.int32)
    target = jax.random.uniform(k3, (16384, 128), dtype=jnp.float32)
    inp = jax.random.normal(k4, (16384, 128), dtype=jnp.float32)
    return {"one_index": one_index, "zero_index": zero_index, "target": target, "input": inp}

def reference(one_index, zero_index, target, input):
    # MSELoss(reduction='none'): elementwise squared error
    loss_sum = (input - target) ** 2
    # advanced row indexing, matching torch loss_sum[one_index]
    one_part = jnp.take(loss_sum, one_index, axis=0).sum()
    zero_part = jnp.take(loss_sum, zero_index, axis=0).sum()
    return (1.0 - ALPHA) * one_part + ALPHA * zero_part

if __name__ == "__main__":
    import jax
    _d = setup_inputs()
    print(jax.jit(kernel)(*tuple(_d.values())))

</pallas_src>

<mosaic_0001>
#map = affine_map<(d0, d1) -> (0, 0)>
module attributes {stable_mosaic.version = 14 : i64} {
  func.func @_sc_hist_body(%arg0: i32, %arg1: i32, %arg2: memref<64x128xi32, #tpu.memory_space<hbm>>, %arg3: memref<64x128xi32, #tpu.memory_space<hbm>>, %arg4: memref<2x16384xf32, #tpu.memory_space<hbm>>, %arg5: memref<2x128xi32, #tpu.memory_space<vmem>>, %arg6: memref<2x128xi32, #tpu.memory_space<vmem>>, %arg7: memref<128xf32, #tpu.memory_space<vmem>>, %arg8: memref<128xf32, #tpu.memory_space<vmem>>, %arg9: memref<1024xf32, #tpu.memory_space<vmem>>, %arg10: memref<16384xf32, #tpu.memory_space<vmem_shared>>) attributes {dimension_semantics = [#tpu.dimension_semantics<core_parallel>, #tpu.dimension_semantics<subcore_parallel>], iteration_bounds = array<i64: 2, 16>, scalar_prefetch = 0 : i64, scratch_operands = 6 : i64, tpu.core_type = #tpu.core_type<sc_vector_subcore>, window_params = [{transform_indices = #map}, {transform_indices = #map}, {transform_indices = #map}]} {
    %mul3A = arith.constant 2 : i32
    %mul3A_0 = arith.muli %arg1, %mul3A : i32
    %mul3A_1 = arith.constant 2 : i32
    %mul3A_2 = arith.muli %mul3A_0, %mul3A_1 : i32
    %mul3A_3 = arith.constant 2 : i32
    %mul3A_4 = arith.muli %arg0, %mul3A_3 : i32
    %add3A = arith.addi %mul3A_2, %mul3A_4 : i32
    "tpu.region"() ({
      %run_scoped3A_38 = tpu.sem_alloc : memref<!tpu.dma_semaphore, #tpu.memory_space<semaphore_mem>>
      %dma_start3A = arith.constant 0 : i32
      %dma_start3A_39 = tpu.memref_slice %arg2[%add3A, %dma_start3A] : memref<64x128xi32, #tpu.memory_space<hbm>> -> memref<2x128xi32, #tpu.memory_space<hbm>>
      %dma_start3A_40 = arith.constant 0 : i32
      %dma_start3A_41 = tpu.memref_slice %arg2[%add3A, %dma_start3A_40] : memref<64x128xi32, #tpu.memory_space<hbm>> -> memref<2x128xi32, #tpu.memory_space<hbm>>
      tpu.enqueue_dma source(%dma_start3A_41 : memref<2x128xi32, #tpu.memory_space<hbm>>) target(%arg5 : memref<2x128xi32, #tpu.memory_space<vmem>>) target_semaphore(%run_scoped3A_38 : memref<!tpu.dma_semaphore, #tpu.memory_space<semaphore_mem>>)
      %dma_wait3A = arith.constant 0 : i32
      %dma_wait3A_42 = tpu.memref_slice %arg2[%add3A, %dma_wait3A] : memref<64x128xi32, #tpu.memory_space<hbm>> -> memref<2x128xi32, #tpu.memory_space<hbm>>
      %dma_wait3A_43 = arith.constant 0 : i32
      %dma_wait3A_44 = tpu.memref_slice %arg2[%add3A, %dma_wait3A_43] : memref<64x128xi32, #tpu.memory_space<hbm>> -> memref<2x128xi32, #tpu.memory_space<hbm>>
      tpu.wait_dma2 semaphore(%run_scoped3A_38 : memref<!tpu.dma_semaphore, #tpu.memory_space<semaphore_mem>>) src(%dma_wait3A_44 : memref<2x128xi32, #tpu.memory_space<hbm>>) dst(%arg5 : memref<2x128xi32, #tpu.memory_space<vmem>>)
      tpu.yield
    }) : () -> ()
    %mul3A_5 = arith.constant 2 : i32
    %mul3A_6 = arith.muli %arg1, %mul3A_5 : i32
    %mul3A_7 = arith.constant 2 : i32
    %mul3A_8 = arith.muli %mul3A_6, %mul3A_7 : i32
    %mul3A_9 = arith.constant 2 : i32
    %mul3A_10 = arith.muli %arg0, %mul3A_9 : i32
    %add3A_11 = arith.addi %mul3A_8, %mul3A_10 : i32
    "tpu.region"() ({
      %run_scoped3A_38 = tpu.sem_alloc : memref<!tpu.dma_semaphore, #tpu.memory_space<semaphore_mem>>
      %dma_start3A = arith.constant 0 : i32
      %dma_start3A_39 = tpu.memref_slice %arg3[%add3A_11, %dma_start3A] : memref<64x128xi32, #tpu.memory_space<hbm>> -> memref<2x128xi32, #tpu.memory_space<hbm>>
      %dma_start3A_40 = arith.constant 0 : i32
      %dma_start3A_41 = tpu.memref_slice %arg3[%add3A_11, %dma_start3A_40] : memref<64x128xi32, #tpu.memory_space<hbm>> -> memref<2x128xi32, #tpu.memory_space<hbm>>
      tpu.enqueue_dma source(%dma_start3A_41 : memref<2x128xi32, #tpu.memory_space<hbm>>) target(%arg6 : memref<2x128xi32, #tpu.memory_space<vmem>>) target_semaphore(%run_scoped3A_38 : memref<!tpu.dma_semaphore, #tpu.memory_space<semaphore_mem>>)
      %dma_wait3A = arith.constant 0 : i32
      %dma_wait3A_42 = tpu.memref_slice %arg3[%add3A_11, %dma_wait3A] : memref<64x128xi32, #tpu.memory_space<hbm>> -> memref<2x128xi32, #tpu.memory_space<hbm>>
      %dma_wait3A_43 = arith.constant 0 : i32
      %dma_wait3A_44 = tpu.memref_slice %arg3[%add3A_11, %dma_wait3A_43] : memref<64x128xi32, #tpu.memory_space<hbm>> -> memref<2x128xi32, #tpu.memory_space<hbm>>
      tpu.wait_dma2 semaphore(%run_scoped3A_38 : memref<!tpu.dma_semaphore, #tpu.memory_space<semaphore_mem>>) src(%dma_wait3A_44 : memref<2x128xi32, #tpu.memory_space<hbm>>) dst(%arg6 : memref<2x128xi32, #tpu.memory_space<vmem>>)
      tpu.yield
    }) : () -> ()
    %broadcast_in_dim3A = arith.constant 2.000000e-01 : f32
    %broadcast_in_dim3A_12 = vector.broadcast %broadcast_in_dim3A : f32 to vector<16xf32>
    %broadcast_in_dim3A_13 = arith.constant 8.000000e-01 : f32
    %broadcast_in_dim3A_14 = vector.broadcast %broadcast_in_dim3A_13 : f32 to vector<16xf32>
    %broadcast_in_dim3A_15 = arith.constant 0.000000e+00 : f32
    %broadcast_in_dim3A_16 = vector.broadcast %broadcast_in_dim3A_15 : f32 to vector<16xf32>
    %scan3A = arith.constant 0 : i32
    %scan3A_17 = arith.constant 0 : i32
    %scan3A_18 = arith.constant 8 : i32
    %scan3A_19 = arith.addi %scan3A_17, %scan3A_18 : i32
    %scan3A_20 = arith.constant 1 : i32
    scf.for %scan3A_38 = %scan3A_17 to %scan3A_19 step %scan3A_20  : i32 {
      %mul3A_39 = arith.constant 16 : i32
      %mul3A_40 = arith.muli %scan3A_38, %mul3A_39 : i32
      %swap3A = arith.index_cast %mul3A_40 : i32 to index
      %swap3A_41 = tpu.vector_load %arg7[%swap3A] {strides = array<i32>} : memref<128xf32, #tpu.memory_space<vmem>>, vector<16xf32>,
      tpu.vector_store %arg7[%swap3A], %broadcast_in_dim3A_12 {strides = array<i32>} : memref<128xf32, #tpu.memory_space<vmem>>, vector<16xf32>,
      %mul3A_42 = arith.constant 16 : i32
      %mul3A_43 = arith.muli %scan3A_38, %mul3A_42 : i32
      %swap3A_44 = arith.index_cast %mul3A_43 : i32 to index
      %swap3A_45 = tpu.vector_load %arg8[%swap3A_44] {strides = array<i32>} : memref<128xf32, #tpu.memory_space<vmem>>, vector<16xf32>,
      tpu.vector_store %arg8[%swap3A_44], %broadcast_in_dim3A_14 {strides = array<i32>} : memref<128xf32, #tpu.memory_space<vmem>>, vector<16xf32>,
    }
    %scan3A_21 = arith.constant 8 : i32
    %scan3A_22 = arith.constant 0 : i32
    %scan3A_23 = arith.constant 0 : i32
    %scan3A_24 = arith.constant 64 : i32
    %scan3A_25 = arith.addi %scan3A_23, %scan3A_24 : i32
    %scan3A_26 = arith.constant 1 : i32
    scf.for %scan3A_38 = %scan3A_23 to %scan3A_25 step %scan3A_26  : i32 {
      %mul3A_39 = arith.constant 16 : i32
      %mul3A_40 = arith.muli %scan3A_38, %mul3A_39 : i32
      %swap3A = arith.index_cast %mul3A_40 : i32 to index
      %swap3A_41 = tpu.vector_load %arg9[%swap3A] {strides = array<i32>} : memref<1024xf32, #tpu.memory_space<vmem>>, vector<16xf32>,
      tpu.vector_store %arg9[%swap3A], %broadcast_in_dim3A_16 {strides = array<i32>} : memref<1024xf32, #tpu.memory_space<vmem>>, vector<16xf32>,
    }
    %scan3A_27 = arith.constant 64 : i32
    %mul3A_28 = arith.constant 1024 : i32
    %mul3A_29 = arith.muli %arg1, %mul3A_28 : i32
    "tpu.region"() ({
      %run_scoped3A_38 = tpu.sem_alloc : memref<!tpu.dma_semaphore, #tpu.memory_space<semaphore_mem>>
      %dma_start3A = tpu.memref_slice %arg10[%mul3A_29] : memref<16384xf32, #tpu.memory_space<vmem_shared>> -> memref<1024xf32, #tpu.memory_space<vmem_shared>>
      %dma_start3A_39 = tpu.memref_slice %arg10[%mul3A_29] : memref<16384xf32, #tpu.memory_space<vmem_shared>> -> memref<1024xf32, #tpu.memory_space<vmem_shared>>
      tpu.enqueue_dma source(%arg9 : memref<1024xf32, #tpu.memory_space<vmem>>) target(%dma_start3A_39 : memref<1024xf32, #tpu.memory_space<vmem_shared>>) target_semaphore(%run_scoped3A_38 : memref<!tpu.dma_semaphore, #tpu.memory_space<semaphore_mem>>)
      %dma_wait3A = tpu.memref_slice %arg10[%mul3A_29] : memref<16384xf32, #tpu.memory_space<vmem_shared>> -> memref<1024xf32, #tpu.memory_space<vmem_shared>>
      %dma_wait3A_40 = tpu.memref_slice %arg10[%mul3A_29] : memref<16384xf32, #tpu.memory_space<vmem_shared>> -> memref<1024xf32, #tpu.memory_space<vmem_shared>>
      tpu.wait_dma2 semaphore(%run_scoped3A_38 : memref<!tpu.dma_semaphore, #tpu.memory_space<semaphore_mem>>) src(%arg9 : memref<1024xf32, #tpu.memory_space<vmem>>) dst(%dma_wait3A_40 : memref<1024xf32, #tpu.memory_space<vmem_shared>>)
      tpu.yield
    }) : () -> ()
    %barrier3A = arith.constant 0 : index
    tpu.barrier barrier_id(%barrier3A)
    %run_scoped3A = arith.constant 0 : i32
    "tpu.region"() ({
      %run_scoped3A_38 = tpu.sem_alloc : memref<!tpu.dma_semaphore, #tpu.memory_space<semaphore_mem>>
      %dma_start3A = arith.constant 0 : i32
      %dma_start3A_39 = tpu.memref_slice %arg5[%run_scoped3A, %dma_start3A] : memref<2x128xi32, #tpu.memory_space<vmem>> -> memref<1x128xi32, #tpu.memory_space<vmem>>
      %dma_start3A_40 = tpu.memref_squeeze %dma_start3A_39 : memref<1x128xi32, #tpu.memory_space<vmem>> -> memref<128xi32, #tpu.memory_space<vmem>>
      %dma_start3A_41 = arith.constant 0 : i32
      %dma_start3A_42 = tpu.memref_slice %arg10[%dma_start3A_41] : memref<16384xf32, #tpu.memory_space<vmem_shared>> -> memref<16384xf32, #tpu.memory_space<vmem_shared>>
      tpu.enqueue_indirect_dma source(%arg7 : memref<128xf32, #tpu.memory_space<vmem>>) target(%dma_start3A_42 : memref<16384xf32, #tpu.memory_space<vmem_shared>>) offsets(%dma_start3A_40 : memref<128xi32, #tpu.memory_space<vmem>>) semaphore(%run_scoped3A_38 : memref<!tpu.dma_semaphore, #tpu.memory_space<semaphore_mem>>) {add = true}
      %dma_wait3A = arith.constant 0 : i32
      %dma_wait3A_43 = tpu.memref_slice %arg5[%run_scoped3A, %dma_wait3A] : memref<2x128xi32, #tpu.memory_space<vmem>> -> memref<1x128xi32, #tpu.memory_space<vmem>>
      %dma_wait3A_44 = tpu.memref_squeeze %dma_wait3A_43 : memref<1x128xi32, #tpu.memory_space<vmem>> -> memref<128xi32, #tpu.memory_space<vmem>>
      %dma_wait3A_45 = arith.constant 0 : i32
      %dma_wait3A_46 = tpu.memref_slice %arg10[%dma_wait3A_45] : memref<16384xf32, #tpu.memory_space<vmem_shared>> -> memref<16384xf32, #tpu.memory_space<vmem_shared>>
      tpu.wait_indirect_dma semaphore(%run_scoped3A_38 : memref<!tpu.dma_semaphore, #tpu.memory_space<semaphore_mem>>) src(%arg7 : memref<128xf32, #tpu.memory_space<vmem>>) dst(%dma_wait3A_46 : memref<16384xf32, #tpu.memory_space<vmem_shared>>)
      tpu.yield
    }) : () -> ()
    %run_scoped3A_30 = arith.constant 0 : i32
    "tpu.region"() ({
      %run_scoped3A_38 = tpu.sem_alloc : memref<!tpu.dma_semaphore, #tpu.memory_space<semaphore_mem>>
      %dma_start3A = arith.constant 0 : i32
      %dma_start3A_39 = tpu.memref_slice %arg6[%run_scoped3A_30, %dma_start3A] : memref<2x128xi32, #tpu.memory_space<vmem>> -> memref<1x128xi32, #tpu.memory_space<vmem>>
      %dma_start3A_40 = tpu.memref_squeeze %dma_start3A_39 : memref<1x128xi32, #tpu.memory_space<vmem>> -> memref<128xi32, #tpu.memory_space<vmem>>
      %dma_start3A_41 = arith.constant 0 : i32
      %dma_start3A_42 = tpu.memref_slice %arg10[%dma_start3A_41] : memref<16384xf32, #tpu.memory_space<vmem_shared>> -> memref<16384xf32, #tpu.memory_space<vmem_shared>>
      tpu.enqueue_indirect_dma source(%arg8 : memref<128xf32, #tpu.memory_space<vmem>>) target(%dma_start3A_42 : memref<16384xf32, #tpu.memory_space<vmem_shared>>) offsets(%dma_start3A_40 : memref<128xi32, #tpu.memory_space<vmem>>) semaphore(%run_scoped3A_38 : memref<!tpu.dma_semaphore, #tpu.memory_space<semaphore_mem>>) {add = true}
      %dma_wait3A = arith.constant 0 : i32
      %dma_wait3A_43 = tpu.memref_slice %arg6[%run_scoped3A_30, %dma_wait3A] : memref<2x128xi32, #tpu.memory_space<vmem>> -> memref<1x128xi32, #tpu.memory_space<vmem>>
      %dma_wait3A_44 = tpu.memref_squeeze %dma_wait3A_43 : memref<1x128xi32, #tpu.memory_space<vmem>> -> memref<128xi32, #tpu.memory_space<vmem>>
      %dma_wait3A_45 = arith.constant 0 : i32
      %dma_wait3A_46 = tpu.memref_slice %arg10[%dma_wait3A_45] : memref<16384xf32, #tpu.memory_space<vmem_shared>> -> memref<16384xf32, #tpu.memory_space<vmem_shared>>
      tpu.wait_indirect_dma semaphore(%run_scoped3A_38 : memref<!tpu.dma_semaphore, #tpu.memory_space<semaphore_mem>>) src(%arg8 : memref<128xf32, #tpu.memory_space<vmem>>) dst(%dma_wait3A_46 : memref<16384xf32, #tpu.memory_space<vmem_shared>>)
      tpu.yield
    }) : () -> ()
    %run_scoped3A_31 = arith.constant 1 : i32
    "tpu.region"() ({
      %run_scoped3A_38 = tpu.sem_alloc : memref<!tpu.dma_semaphore, #tpu.memory_space<semaphore_mem>>
      %dma_start3A = arith.constant 0 : i32
      %dma_start3A_39 = tpu.memref_slice %arg5[%run_scoped3A_31, %dma_start3A] : memref<2x128xi32, #tpu.memory_space<vmem>> -> memref<1x128xi32, #tpu.memory_space<vmem>>
      %dma_start3A_40 = tpu.memref_squeeze %dma_start3A_39 : memref<1x128xi32, #tpu.memory_space<vmem>> -> memref<128xi32, #tpu.memory_space<vmem>>
      %dma_start3A_41 = arith.constant 0 : i32
      %dma_start3A_42 = tpu.memref_slice %arg10[%dma_start3A_41] : memref<16384xf32, #tpu.memory_space<vmem_shared>> -> memref<16384xf32, #tpu.memory_space<vmem_shared>>
      tpu.enqueue_indirect_dma source(%arg7 : memref<128xf32, #tpu.memory_space<vmem>>) target(%dma_start3A_42 : memref<16384xf32, #tpu.memory_space<vmem_shared>>) offsets(%dma_start3A_40 : memref<128xi32, #tpu.memory_space<vmem>>) semaphore(%run_scoped3A_38 : memref<!tpu.dma_semaphore, #tpu.memory_space<semaphore_mem>>) {add = true}
      %dma_wait3A = arith.constant 0 : i32
      %dma_wait3A_43 = tpu.memref_slice %arg5[%run_scoped3A_31, %dma_wait3A] : memref<2x128xi32, #tpu.memory_space<vmem>> -> memref<1x128xi32, #tpu.memory_space<vmem>>
      %dma_wait3A_44 = tpu.memref_squeeze %dma_wait3A_43 : memref<1x128xi32, #tpu.memory_space<vmem>> -> memref<128xi32, #tpu.memory_space<vmem>>
      %dma_wait3A_45 = arith.constant 0 : i32
      %dma_wait3A_46 = tpu.memref_slice %arg10[%dma_wait3A_45] : memref<16384xf32, #tpu.memory_space<vmem_shared>> -> memref<16384xf32, #tpu.memory_space<vmem_shared>>
      tpu.wait_indirect_dma semaphore(%run_scoped3A_38 : memref<!tpu.dma_semaphore, #tpu.memory_space<semaphore_mem>>) src(%arg7 : memref<128xf32, #tpu.memory_space<vmem>>) dst(%dma_wait3A_46 : memref<16384xf32, #tpu.memory_space<vmem_shared>>)
      tpu.yield
    }) : () -> ()
    %run_scoped3A_32 = arith.constant 1 : i32
    "tpu.region"() ({
      %run_scoped3A_38 = tpu.sem_alloc : memref<!tpu.dma_semaphore, #tpu.memory_space<semaphore_mem>>
      %dma_start3A = arith.constant 0 : i32
      %dma_start3A_39 = tpu.memref_slice %arg6[%run_scoped3A_32, %dma_start3A] : memref<2x128xi32, #tpu.memory_space<vmem>> -> memref<1x128xi32, #tpu.memory_space<vmem>>
      %dma_start3A_40 = tpu.memref_squeeze %dma_start3A_39 : memref<1x128xi32, #tpu.memory_space<vmem>> -> memref<128xi32, #tpu.memory_space<vmem>>
      %dma_start3A_41 = arith.constant 0 : i32
      %dma_start3A_42 = tpu.memref_slice %arg10[%dma_start3A_41] : memref<16384xf32, #tpu.memory_space<vmem_shared>> -> memref<16384xf32, #tpu.memory_space<vmem_shared>>
      tpu.enqueue_indirect_dma source(%arg8 : memref<128xf32, #tpu.memory_space<vmem>>) target(%dma_start3A_42 : memref<16384xf32, #tpu.memory_space<vmem_shared>>) offsets(%dma_start3A_40 : memref<128xi32, #tpu.memory_space<vmem>>) semaphore(%run_scoped3A_38 : memref<!tpu.dma_semaphore, #tpu.memory_space<semaphore_mem>>) {add = true}
      %dma_wait3A = arith.constant 0 : i32
      %dma_wait3A_43 = tpu.memref_slice %arg6[%run_scoped3A_32, %dma_wait3A] : memref<2x128xi32, #tpu.memory_space<vmem>> -> memref<1x128xi32, #tpu.memory_space<vmem>>
      %dma_wait3A_44 = tpu.memref_squeeze %dma_wait3A_43 : memref<1x128xi32, #tpu.memory_space<vmem>> -> memref<128xi32, #tpu.memory_space<vmem>>
      %dma_wait3A_45 = arith.constant 0 : i32
      %dma_wait3A_46 = tpu.memref_slice %arg10[%dma_wait3A_45] : memref<16384xf32, #tpu.memory_space<vmem_shared>> -> memref<16384xf32, #tpu.memory_space<vmem_shared>>
      tpu.wait_indirect_dma semaphore(%run_scoped3A_38 : memref<!tpu.dma_semaphore, #tpu.memory_space<semaphore_mem>>) src(%arg8 : memref<128xf32, #tpu.memory_space<vmem>>) dst(%dma_wait3A_46 : memref<16384xf32, #tpu.memory_space<vmem_shared>>)
      tpu.yield
    }) : () -> ()
    %barrier3A_33 = arith.constant 0 : index
    tpu.barrier barrier_id(%barrier3A_33)
    %mul3A_34 = arith.constant 1024 : i32
    %mul3A_35 = arith.muli %arg1, %mul3A_34 : i32
    %mul3A_36 = arith.constant 1024 : i32
    %mul3A_37 = arith.muli %arg1, %mul3A_36 : i32
    "tpu.region"() ({
      %run_scoped3A_38 = tpu.sem_alloc : memref<!tpu.dma_semaphore, #tpu.memory_space<semaphore_mem>>
      %dma_start3A = tpu.memref_slice %arg4[%arg0, %mul3A_37] : memref<2x16384xf32, #tpu.memory_space<hbm>> -> memref<1x1024xf32, #tpu.memory_space<hbm>>
      %dma_start3A_39 = tpu.memref_squeeze %dma_start3A : memref<1x1024xf32, #tpu.memory_space<hbm>> -> memref<1024xf32, #tpu.memory_space<hbm>>
      %dma_start3A_40 = tpu.memref_slice %arg10[%mul3A_35] : memref<16384xf32, #tpu.memory_space<vmem_shared>> -> memref<1024xf32, #tpu.memory_space<vmem_shared>>
      tpu.enqueue_dma source(%dma_start3A_40 : memref<1024xf32, #tpu.memory_space<vmem_shared>>) target(%dma_start3A_39 : memref<1024xf32, #tpu.memory_space<hbm>>) target_semaphore(%run_scoped3A_38 : memref<!tpu.dma_semaphore, #tpu.memory_space<semaphore_mem>>)
      %dma_wait3A = tpu.memref_slice %arg4[%arg0, %mul3A_37] : memref<2x16384xf32, #tpu.memory_space<hbm>> -> memref<1x1024xf32, #tpu.memory_space<hbm>>
      %dma_wait3A_41 = tpu.memref_squeeze %dma_wait3A : memref<1x1024xf32, #tpu.memory_space<hbm>> -> memref<1024xf32, #tpu.memory_space<hbm>>
      %dma_wait3A_42 = tpu.memref_slice %arg10[%mul3A_35] : memref<16384xf32, #tpu.memory_space<vmem_shared>> -> memref<1024xf32, #tpu.memory_space<vmem_shared>>
      tpu.wait_dma2 semaphore(%run_scoped3A_38 : memref<!tpu.dma_semaphore, #tpu.memory_space<semaphore_mem>>) src(%dma_wait3A_42 : memref<1024xf32, #tpu.memory_space<vmem_shared>>) dst(%dma_wait3A_41 : memref<1024xf32, #tpu.memory_space<hbm>>)
      tpu.yield
    }) : () -> ()
    return
  }
}

module attributes {stable_mosaic.version = 14 : i64} {
  func.func @_dot_body(%arg0: memref<2x16384xf32, #tpu.memory_space<vmem>>, %arg1: memref<128x128xf32, #tpu.memory_space<vmem>>, %arg2: memref<1x1xf32, #tpu.memory_space<vmem>>) attributes {dimension_semantics = [], scalar_prefetch = 0 : i64, scratch_operands = 0 : i64, tpu.core_type = #tpu.core_type<tc>} {
    %get3A = arith.constant 0 : index
    %get3A_0 = arith.constant 0 : index
    %get3A_1 = vector.load %arg0[%get3A, %get3A_0] : memref<2x16384xf32, #tpu.memory_space<vmem>>, vector<1x16384xf32>
    %get3A_2 = vector.shape_cast %get3A_1 : vector<1x16384xf32> to vector<16384xf32>
    %reshape3A = vector.shape_cast %get3A_2 : vector<16384xf32> to vector<128x128xf32>
    %get3A_3 = arith.constant 1 : index
    %get3A_4 = arith.constant 0 : index
    %get3A_5 = vector.load %arg0[%get3A_3, %get3A_4] : memref<2x16384xf32, #tpu.memory_space<vmem>>, vector<1x16384xf32>
    %get3A_6 = vector.shape_cast %get3A_5 : vector<1x16384xf32> to vector<16384xf32>
    %reshape3A_7 = vector.shape_cast %get3A_6 : vector<16384xf32> to vector<128x128xf32>
    %add3A = arith.addf %reshape3A, %reshape3A_7 : vector<128x128xf32>
    %get3A_8 = arith.constant 0 : index
    %get3A_9 = arith.constant 0 : index
    %get3A_10 = vector.load %arg1[%get3A_8, %get3A_9] : memref<128x128xf32, #tpu.memory_space<vmem>>, vector<128x128xf32>
    %mul3A = arith.mulf %add3A, %get3A_10 : vector<128x128xf32>
    %reduce_sum3A = vector.shape_cast %mul3A : vector<128x128xf32> to vector<1x128x128xf32>
    %reduce_sum3A_11 = arith.constant dense<0.000000e+00> : vector<1xf32>
    %reduce_sum3A_12 = vector.multi_reduction <add>, %reduce_sum3A, %reduce_sum3A_11 [1, 2] : vector<1x128x128xf32> to vector<1xf32>
    %reduce_sum3A_13 = vector.shape_cast %reduce_sum3A_12 : vector<1xf32> to vector<1x1x1xf32>
    %reduce_sum3A_14 = vector.extract %reduce_sum3A_13[0, 0, 0] : f32 from vector<1x1x1xf32>
    %reshape3A_15 = vector.broadcast %reduce_sum3A_14 : f32 to vector<1x1xf32>
    %swap3A = arith.constant 0 : index
    %swap3A_16 = arith.constant 0 : index
    %swap3A_17 = vector.load %arg2[%swap3A, %swap3A_16] : memref<1x1xf32, #tpu.memory_space<vmem>>, vector<1x1xf32>
    tpu.vector_store %arg2[%swap3A, %swap3A_16], %reshape3A_15 {strides = array<i32>} : memref<1x1xf32, #tpu.memory_space<vmem>>, vector<1x1xf32>,
    return
  }
}

module attributes {stable_mosaic.version = 14 : i64} {
  func.func @_rowsum_body(%arg0: i32, %arg1: memref<8192x128xf32, #tpu.memory_space<vmem>>, %arg2: memref<8192x128xf32, #tpu.memory_space<vmem>>, %arg3: memref<64x128xf32, #tpu.memory_space<vmem>>) attributes {dimension_semantics = [#tpu.dimension_semantics<arbitrary>], iteration_bounds = array<i64: 2>, scalar_prefetch = 0 : i64, scratch_operands = 0 : i64, tpu.core_type = #tpu.core_type<tc>, window_params = [{transform_indices = @transform_0, window_bounds = array<i64: 8192, 128>}, {transform_indices = @transform_1, window_bounds = array<i64: 8192, 128>}, {transform_indices = @transform_2, window_bounds = array<i64: 64, 128>}]} {
    %broadcast_in_dim3A = arith.constant 1.000000e+00 : f32
    %broadcast_in_dim3A_0 = vector.broadcast %broadcast_in_dim3A : f32 to vector<1x128xf32>
    %get3A = arith.constant 0 : index
    %get3A_1 = arith.constant 0 : index
    %get3A_2 = vector.load %arg1[%get3A, %get3A_1] : memref<8192x128xf32, #tpu.memory_space<vmem>>, vector<128x128xf32>
    %get3A_3 = arith.constant 0 : index
    %get3A_4 = arith.constant 0 : index
    %get3A_5 = vector.load %arg2[%get3A_3, %get3A_4] : memref<8192x128xf32, #tpu.memory_space<vmem>>, vector<128x128xf32>
    %sub3A = arith.subf %get3A_2, %get3A_5 : vector<128x128xf32>
    %mul3A = arith.mulf %sub3A, %sub3A : vector<128x128xf32>
    %dot_general3A = arith.constant dense<0.000000e+00> : vector<1x128xf32>
    %dot_general3A_6 = tpu.matmul %broadcast_in_dim3A_0, %mul3A, %dot_general3A {dimension_numbers = #tpu.dot_dimension_numbers<[1], [1], [0], [0], [0, 0, 1, 0], [], []>, transpose_lhs_hint = false} : vector<1x128xf32>, vector<128x128xf32>, vector<1x128xf32> -> vector<1x128xf32>
    %swap3A = arith.constant 0 : index
    %swap3A_7 = arith.constant 0 : index
    %swap3A_8 = vector.load %arg3[%swap3A, %swap3A_7] : memref<64x128xf32, #tpu.memory_space<vmem>>, vector<1x128xf32>
    tpu.vector_store %arg3[%swap3A, %swap3A_7], %dot_general3A_6 {strides = array<i32>} : memref<64x128xf32, #tpu.memory_space<vmem>>, vector<1x128xf32>,
    %get3A_9 = arith.constant 128 : index
    %get3A_10 = arith.constant 0 : index
    %get3A_11 = vector.load %arg1[%get3A_9, %get3A_10] : memref<8192x128xf32, #tpu.memory_space<vmem>>, vector<128x128xf32>
    %get3A_12 = arith.constant 128 : index
    %get3A_13 = arith.constant 0 : index
    %get3A_14 = vector.load %arg2[%get3A_12, %get3A_13] : memref<8192x128xf32, #tpu.memory_space<vmem>>, vector<128x128xf32>
    %sub3A_15 = arith.subf %get3A_11, %get3A_14 : vector<128x128xf32>
    %mul3A_16 = arith.mulf %sub3A_15, %sub3A_15 : vector<128x128xf32>
    %dot_general3A_17 = arith.constant dense<0.000000e+00> : vector<1x128xf32>
    %dot_general3A_18 = tpu.matmul %broadcast_in_dim3A_0, %mul3A_16, %dot_general3A_17 {dimension_numbers = #tpu.dot_dimension_numbers<[1], [1], [0], [0], [0, 0, 1, 0], [], []>, transpose_lhs_hint = false} : vector<1x128xf32>, vector<128x128xf32>, vector<1x128xf32> -> vector<1x128xf32>
    %swap3A_19 = arith.constant 1 : index
    %swap3A_20 = arith.constant 0 : index
    %swap3A_21 = vector.load %arg3[%swap3A_19, %swap3A_20] : memref<64x128xf32, #tpu.memory_space<vmem>>, vector<1x128xf32>
    tpu.vector_store %arg3[%swap3A_19, %swap3A_20], %dot_general3A_18 {strides = array<i32>} : memref<64x128xf32, #tpu.memory_space<vmem>>, vector<1x128xf32>,
    %get3A_22 = arith.constant 256 : index
    %get3A_23 = arith.constant 0 : index
    %get3A_24 = vector.load %arg1[%get3A_22, %get3A_23] : memref<8192x128xf32, #tpu.memory_space<vmem>>, vector<128x128xf32>
    %get3A_25 = arith.constant 256 : index
    %get3A_26 = arith.constant 0 : index
    %get3A_27 = vector.load %arg2[%get3A_25, %get3A_26] : memref<8192x128xf32, #tpu.memory_space<vmem>>, vector<128x128xf32>
    %sub3A_28 = arith.subf %get3A_24, %get3A_27 : vector<128x128xf32>
    %mul3A_29 = arith.mulf %sub3A_28, %sub3A_28 : vector<128x128xf32>
    %dot_general3A_30 = arith.constant dense<0.000000e+00> : vector<1x128xf32>
    %dot_general3A_31 = tpu.matmul %broadcast_in_dim3A_0, %mul3A_29, %dot_general3A_30 {dimension_numbers = #tpu.dot_dimension_numbers<[1], [1], [0], [0], [0, 0, 1, 0], [], []>, transpose_lhs_hint = false} : vector<1x128xf32>, vector<128x128xf32>, vector<1x128xf32> -> vector<1x128xf32>
    %swap3A_32 = arith.constant 2 : index
    %swap3A_33 = arith.constant 0 : index
    %swap3A_34 = vector.load %arg3[%swap3A_32, %swap3A_33] : memref<64x128xf32, #tpu.memory_space<vmem>>, vector<1x128xf32>
    tpu.vector_store %arg3[%swap3A_32, %swap3A_33], %dot_general3A_31 {strides = array<i32>} : memref<64x128xf32, #tpu.memory_space<vmem>>, vector<1x128xf32>,
    %get3A_35 = arith.constant 384 : index
    %get3A_36 = arith.constant 0 : index
    %get3A_37 = vector.load %arg1[%get3A_35, %get3A_36] : memref<8192x128xf32, #tpu.memory_space<vmem>>, vector<128x128xf32>
    %get3A_38 = arith.constant 384 : index
    %get3A_39 = arith.constant 0 : index
    %get3A_40 = vector.load %arg2[%get3A_38, %get3A_39] : memref<8192x128xf32, #tpu.memory_space<vmem>>, vector<128x128xf32>
    %sub3A_41 = arith.subf %get3A_37, %get3A_40 : vector<128x128xf32>
    %mul3A_42 = arith.mulf %sub3A_41, %sub3A_41 : vector<128x128xf32>
    %dot_general3A_43 = arith.constant dense<0.000000e+00> : vector<1x128xf32>
    %dot_general3A_44 = tpu.matmul %broadcast_in_dim3A_0, %mul3A_42, %dot_general3A_43 {dimension_numbers = #tpu.dot_dimension_numbers<[1], [1], [0], [0], [0, 0, 1, 0], [], []>, transpose_lhs_hint = false} : vector<1x128xf32>, vector<128x128xf32>, vector<1x128xf32> -> vector<1x128xf32>
    %swap3A_45 = arith.constant 3 : index
    %swap3A_46 = arith.constant 0 : index
    %swap3A_47 = vector.load %arg3[%swap3A_45, %swap3A_46] : memref<64x128xf32, #tpu.memory_space<vmem>>, vector<1x128xf32>
    tpu.vector_store %arg3[%swap3A_45, %swap3A_46], %dot_general3A_44 {strides = array<i32>} : memref<64x128xf32, #tpu.memory_space<vmem>>, vector<1x128xf32>,
    %get3A_48 = arith.constant 512 : index
    %get3A_49 = arith.constant 0 : index
    %get3A_50 = vector.load %arg1[%get3A_48, %get3A_49] : memref<8192x128xf32, #tpu.memory_space<vmem>>, vector<128x128xf32>
    %get3A_51 = arith.constant 512 : index
    %get3A_52 = arith.constant 0 : index
    %get3A_53 = vector.load %arg2[%get3A_51, %get3A_52] : memref<8192x128xf32, #tpu.memory_space<vmem>>, vector<128x128xf32>
    %sub3A_54 = arith.subf %get3A_50, %get3A_53 : vector<128x128xf32>
    %mul3A_55 = arith.mulf %sub3A_54, %sub3A_54 : vector<128x128xf32>
    %dot_general3A_56 = arith.constant dense<0.000000e+00> : vector<1x128xf32>
    %dot_general3A_57 = tpu.matmul %broadcast_in_dim3A_0, %mul3A_55, %dot_general3A_56 {dimension_numbers = #tpu.dot_dimension_numbers<[1], [1], [0], [0], [0, 0, 1, 0], [], []>, transpose_lhs_hint = false} : vector<1x128xf32>, vector<128x128xf32>, vector<1x128xf32> -> vector<1x128xf32>
    %swap3A_58 = arith.constant 4 : index
    %swap3A_59 = arith.constant 0 : index
    %swap3A_60 = vector.load %arg3[%swap3A_58, %swap3A_59] : memref<64x128xf32, #tpu.memory_space<vmem>>, vector<1x128xf32>
    tpu.vector_store %arg3[%swap3A_58, %swap3A_59], %dot_general3A_57 {strides = array<i32>} : memref<64x128xf32, #tpu.memory_space<vmem>>, vector<1x128xf32>,
    %get3A_61 = arith.constant 640 : index
    %get3A_62 = arith.constant 0 : index
    %get3A_63 = vector.load %arg1[%get3A_61, %get3A_62] : memref<8192x128xf32, #tpu.memory_space<vmem>>, vector<128x128xf32>
    %get3A_64 = arith.constant 640 : index
    %get3A_65 = arith.constant 0 : index
    %get3A_66 = vector.load %arg2[%get3A_64, %get3A_65] : memref<8192x128xf32, #tpu.memory_space<vmem>>, vector<128x128xf32>
    %sub3A_67 = arith.subf %get3A_63, %get3A_66 : vector<128x128xf32>
    %mul3A_68 = arith.mulf %sub3A_67, %sub3A_67 : vector<128x128xf32>
    %dot_general3A_69 = arith.constant dense<0.000000e+00> : vector<1x128xf32>
    %dot_general3A_70 = tpu.matmul %broadcast_in_dim3A_0, %mul3A_68, %dot_general3A_69 {dimension_numbers = #tpu.dot_dimension_numbers<[1], [1], [0], [0], [0, 0, 1, 0], [], []>, transpose_lhs_hint = false} : vector<1x128xf32>, vector<128x128xf32>, vector<1x128xf32> -> vector<1x128xf32>
    %swap3A_71 = arith.constant 5 : index
    %swap3A_72 = arith.constant 0 : index
    %swap3A_73 = vector.load %arg3[%swap3A_71, %swap3A_72] : memref<64x128xf32, #tpu.memory_space<vmem>>, vector<1x128xf32>
    tpu.vector_store %arg3[%swap3A_71, %swap3A_72], %dot_general3A_70 {strides = array<i32>} : memref<64x128xf32, #tpu.memory_space<vmem>>, vector<1x128xf32>,
    %get3A_74 = arith.constant 768 : index
    %get3A_75 = arith.constant 0 : index
    %get3A_76 = vector.load %arg1[%get3A_74, %get3A_75] : memref<8192x128xf32, #tpu.memory_space<vmem>>, vector<128x128xf32>
    %get3A_77 = arith.constant 768 : index
    %get3A_78 = arith.constant 0 : index
    %get3A_79 = vector.load %arg2[%get3A_77, %get3A_78] : memref<8192x128xf32, #tpu.memory_space<vmem>>, vector<128x128xf32>
    %sub3A_80 = arith.subf %get3A_76, %get3A_79 : vector<128x128xf32>
    %mul3A_81 = arith.mulf %sub3A_80, %sub3A_80 : vector<128x128xf32>
    %dot_general3A_82 = arith.constant dense<0.000000e+00> : vector<1x128xf32>
    %dot_general3A_83 = tpu.matmul %broadcast_in_dim3A_0, %mul3A_81, %dot_general3A_82 {dimension_numbers = #tpu.dot_dimension_numbers<[1], [1], [0], [0], [0, 0, 1, 0], [], []>, transpose_lhs_hint = false} : vector<1x128xf32>, vector<128x128xf32>, vector<1x128xf32> -> vector<1x128xf32>
    %swap3A_84 = arith.constant 6 : index
    %swap3A_85 = arith.constant 0 : index
    %swap3A_86 = vector.load %arg3[%swap3A_84, %swap3A_85] : memref<64x128xf32, #tpu.memory_space<vmem>>, vector<1x128xf32>
    tpu.vector_store %arg3[%swap3A_84, %swap3A_85], %dot_general3A_83 {strides = array<i32>} : memref<64x128xf32, #tpu.memory_space<vmem>>, vector<1x128xf32>,
    %get3A_87 = arith.constant 896 : index
    %get3A_88 = arith.constant 0 : index
    %get3A_89 = vector.load %arg1[%get3A_87, %get3A_88] : memref<8192x128xf32, #tpu.memory_space<vmem>>, vector<128x128xf32>
    %get3A_90 = arith.constant 896 : index
    %get3A_91 = arith.constant 0 : index
    %get3A_92 = vector.load %arg2[%get3A_90, %get3A_91] : memref<8192x128xf32, #tpu.memory_space<vmem>>, vector<128x128xf32>
    %sub3A_93 = arith.subf %get3A_89, %get3A_92 : vector<128x128xf32>
    %mul3A_94 = arith.mulf %sub3A_93, %sub3A_93 : vector<128x128xf32>
    %dot_general3A_95 = arith.constant dense<0.000000e+00> : vector<1x128xf32>
    %dot_general3A_96 = tpu.matmul %broadcast_in_dim3A_0, %mul3A_94, %dot_general3A_95 {dimension_numbers = #tpu.dot_dimension_numbers<[1], [1], [0], [0], [0, 0, 1, 0], [], []>, transpose_lhs_hint = false} : vector<1x128xf32>, vector<128x128xf32>, vector<1x128xf32> -> vector<1x128xf32>
    %swap3A_97 = arith.constant 7 : index
    %swap3A_98 = arith.constant 0 : index
    %swap3A_99 = vector.load %arg3[%swap3A_97, %swap3A_98] : memref<64x128xf32, #tpu.memory_space<vmem>>, vector<1x128xf32>
    tpu.vector_store %arg3[%swap3A_97, %swap3A_98], %dot_general3A_96 {strides = array<i32>} : memref<64x128xf32, #tpu.memory_space<vmem>>, vector<1x128xf32>,
    %get3A_100 = arith.constant 1024 : index
    %get3A_101 = arith.constant 0 : index
    %get3A_102 = vector.load %arg1[%get3A_100, %get3A_101] : memref<8192x128xf32, #tpu.memory_space<vmem>>, vector<128x128xf32>
    %get3A_103 = arith.constant 1024 : index
    %get3A_104 = arith.constant 0 : index
    %get3A_105 = vector.load %arg2[%get3A_103, %get3A_104] : memref<8192x128xf32, #tpu.memory_space<vmem>>, vector<128x128xf32>
    %sub3A_106 = arith.subf %get3A_102, %get3A_105 : vector<128x128xf32>
    %mul3A_107 = arith.mulf %sub3A_106, %sub3A_106 : vector<128x128xf32>
    %dot_general3A_108 = arith.constant dense<0.000000e+00> : vector<1x128xf32>
    %dot_general3A_109 = tpu.matmul %broadcast_in_dim3A_0, %mul3A_107, %dot_general3A_108 {dimension_numbers = #tpu.dot_dimension_numbers<[1], [1], [0], [0], [0, 0, 1, 0], [], []>, transpose_lhs_hint = false} : vector<1x128xf32>, vector<128x128xf32>, vector<1x128xf32> -> vector<1x128xf32>
    %swap3A_110 = arith.constant 8 : index
    %swap3A_111 = arith.constant 0 : index
    %swap3A_112 = vector.load %arg3[%swap3A_110, %swap3A_111] : memref<64x128xf32, #tpu.memory_space<vmem>>, vector<1x128xf32>
    tpu.vector_store %arg3[%swap3A_110, %swap3A_111], %dot_general3A_109 {strides = array<i32>} : memref<64x128xf32, #tpu.memory_space<vmem>>, vector<1x128xf32>,
    %get3A_113 = arith.constant 1152 : index
    %get3A_114 = arith.constant 0 : index
    %get3A_115 = vector.load %arg1[%get3A_113, %get3A_114] : memref<8192x128xf32, #tpu.memory_space<vmem>>, vector<128x128xf32>
    %get3A_116 = arith.constant 1152 : index
    %get3A_117 = arith.constant 0 : index
    %get3A_118 = vector.load %arg2[%get3A_116, %get3A_117] : memref<8192x128xf32, #tpu.memory_space<vmem>>, vector<128x128xf32>
    %sub3A_119 = arith.subf %get3A_115, %get3A_118 : vector<128x128xf32>
    %mul3A_120 = arith.mulf %sub3A_119, %sub3A_119 : vector<128x128xf32>
    %dot_general3A_121 = arith.constant dense<0.000000e+00> : vector<1x128xf32>
    %dot_general3A_122 = tpu.matmul %broadcast_in_dim3A_0, %mul3A_120, %dot_general3A_121 {dimension_numbers = #tpu.dot_dimension_numbers<[1], [1], [0], [0], [0, 0, 1, 0], [], []>, transpose_lhs_hint = false} : vector<1x128xf32>, vector<128x128xf32>, vector<1x128xf32> -> vector<1x128xf32>
    %swap3A_123 = arith.constant 9 : index
    %swap3A_124 = arith.constant 0 : index
    %swap3A_125 = vector.load %arg3[%swap3A_123, %swap3A_124] : memref<64x128xf32, #tpu.memory_space<vmem>>, vector<1x128xf32>
    tpu.vector_store %arg3[%swap3A_123, %swap3A_124], %dot_general3A_122 {strides = array<i32>} : memref<64x128xf32, #tpu.memory_space<vmem>>, vector<1x128xf32>,
    %get3A_126 = arith.constant 1280 : index
    %get3A_127 = arith.constant 0 : index
    %get3A_128 = vector.load %arg1[%get3A_126, %get3A_127] : memref<8192x128xf32, #tpu.memory_space<vmem>>, vector<128x128xf32>
    %get3A_129 = arith.constant 1280 : index
    %get3A_130 = arith.constant 0 : index
    %get3A_131 = vector.load %arg2[%get3A_129, %get3A_130] : memref<8192x128xf32, #tpu.memory_space<vmem>>, vector<128x128xf32>
    %sub3A_132 = arith.subf %get3A_128, %get3A_131 : vector<128x128xf32>
    %mul3A_133 = arith.mulf %sub3A_132, %sub3A_132 : vector<128x128xf32>
    %dot_general3A_134 = arith.constant dense<0.000000e+00> : vector<1x128xf32>
    %dot_general3A_135 = tpu.matmul %broadcast_in_dim3A_0, %mul3A_133, %dot_general3A_134 {dimension_numbers = #tpu.dot_dimension_numbers<[1], [1], [0], [0], [0, 0, 1, 0], [], []>, transpose_lhs_hint = false} : vector<1x128xf32>, vector<128x128xf32>, vector<1x128xf32> -> vector<1x128xf32>
    %swap3A_136 = arith.constant 10 : index
    %swap3A_137 = arith.constant 0 : index
    %swap3A_138 = vector.load %arg3[%swap3A_136, %swap3A_137] : memref<64x128xf32, #tpu.memory_space<vmem>>, vector<1x128xf32>
    tpu.vector_store %arg3[%swap3A_136, %swap3A_137], %dot_general3A_135 {strides = array<i32>} : memref<64x128xf32, #tpu.memory_space<vmem>>, vector<1x128xf32>,
    %get3A_139 = arith.constant 1408 : index
    %get3A_140 = arith.constant 0 : index
    %get3A_141 = vector.load %arg1[%get3A_139, %get3A_140] : memref<8192x128xf32, #tpu.memory_space<vmem>>, vector<128x128xf32>
    %get3A_142 = arith.constant 1408 : index
    %get3A_143 = arith.constant 0 : index
    %get3A_144 = vector.load %arg2[%get3A_142, %get3A_143] : memref<8192x128xf32, #tpu.memory_space<vmem>>, vector<128x128xf32>
    %sub3A_145 = arith.subf %get3A_141, %get3A_144 : vector<128x128xf32>
    %mul3A_146 = arith.mulf %sub3A_145, %sub3A_145 : vector<128x128xf32>
    %dot_general3A_147 = arith.constant dense<0.000000e+00> : vector<1x128xf32>
    %dot_general3A_148 = tpu.matmul %broadcast_in_dim3A_0, %mul3A_146, %dot_general3A_147 {dimension_numbers = #tpu.dot_dimension_numbers<[1], [1], [0], [0], [0, 0, 1, 0], [], []>, transpose_lhs_hint = false} : vector<1x128xf32>, vector<128x128xf32>, vector<1x128xf32> -> vector<1x128xf32>
    %swap3A_149 = arith.constant 11 : index
    %swap3A_150 = arith.constant 0 : index
    %swap3A_151 = vector.load %arg3[%swap3A_149, %swap3A_150] : memref<64x128xf32, #tpu.memory_space<vmem>>, vector<1x128xf32>
    tpu.vector_store %arg3[%swap3A_149, %swap3A_150], %dot_general3A_148 {strides = array<i32>} : memref<64x128xf32, #tpu.memory_space<vmem>>, vector<1x128xf32>,
    %get3A_152 = arith.constant 1536 : index
    %get3A_153 = arith.constant 0 : index
    %get3A_154 = vector.load %arg1[%get3A_152, %get3A_153] : memref<8192x128xf32, #tpu.memory_space<vmem>>, vector<128x128xf32>
    %get3A_155 = arith.constant 1536 : index
    %get3A_156 = arith.constant 0 : index
    %get3A_157 = vector.load %arg2[%get3A_155, %get3A_156] : memref<8192x128xf32, #tpu.memory_space<vmem>>, vector<128x128xf32>
    %sub3A_158 = arith.subf %get3A_154, %get3A_157 : vector<128x128xf32>
    %mul3A_159 = arith.mulf %sub3A_158, %sub3A_158 : vector<128x128xf32>
    %dot_general3A_160 = arith.constant dense<0.000000e+00> : vector<1x128xf32>
    %dot_general3A_161 = tpu.matmul %broadcast_in_dim3A_0, %mul3A_159, %dot_general3A_160 {dimension_numbers = #tpu.dot_dimension_numbers<[1], [1], [0], [0], [0, 0, 1, 0], [], []>, transpose_lhs_hint = false} : vector<1x128xf32>, vector<128x128xf32>, vector<1x128xf32> -> vector<1x128xf32>
    %swap3A_162 = arith.constant 12 : index
    %swap3A_163 = arith.constant 0 : index
    %swap3A_164 = vector.load %arg3[%swap3A_162, %swap3A_163] : memref<64x128xf32, #tpu.memory_space<vmem>>, vector<1x128xf32>
    tpu.vector_store %arg3[%swap3A_162, %swap3A_163], %dot_general3A_161 {strides = array<i32>} : memref<64x128xf32, #tpu.memory_space<vmem>>, vector<1x128xf32>,
    %get3A_165 = arith.constant 1664 : index
    %get3A_166 = arith.constant 0 : index
    %get3A_167 = vector.load %arg1[%get3A_165, %get3A_166] : memref<8192x128xf32, #tpu.memory_space<vmem>>, vector<128x128xf32>
    %get3A_168 = arith.constant 1664 : index
    %get3A_169 = arith.constant 0 : index
    %get3A_170 = vector.load %arg2[%get3A_168, %get3A_169] : memref<8192x128xf32, #tpu.memory_space<vmem>>, vector<128x128xf32>
    %sub3A_171 = arith.subf %get3A_167, %get3A_170 : vector<128x128xf32>
    %mul3A_172 = arith.mulf %sub3A_171, %sub3A_171 : vector<128x128xf32>
    %dot_general3A_173 = arith.constant dense<0.000000e+00> : vector<1x128xf32>
    %dot_general3A_174 = tpu.matmul %broadcast_in_dim3A_0, %mul3A_172, %dot_general3A_173 {dimension_numbers = #tpu.dot_dimension_numbers<[1], [1], [0], [0], [0, 0, 1, 0], [], []>, transpose_lhs_hint = false} : vector<1x128xf32>, vector<128x128xf32>, vector<1x128xf32> -> vector<1x128xf32>
    %swap3A_175 = arith.constant 13 : index
    %swap3A_176 = arith.constant 0 : index
    %swap3A_177 = vector.load %arg3[%swap3A_175, %swap3A_176] : memref<64x128xf32, #tpu.memory_space<vmem>>, vector<1x128xf32>
    tpu.vector_store %arg3[%swap3A_175, %swap3A_176], %dot_general3A_174 {strides = array<i32>} : memref<64x128xf32, #tpu.memory_space<vmem>>, vector<1x128xf32>,
    %get3A_178 = arith.constant 1792 : index
    %get3A_179 = arith.constant 0 : index
    %get3A_180 = vector.load %arg1[%get3A_178, %get3A_179] : memref<8192x128xf32, #tpu.memory_space<vmem>>, vector<128x128xf32>
    %get3A_181 = arith.constant 1792 : index
    %get3A_182 = arith.constant 0 : index
    %get3A_183 = vector.load %arg2[%get3A_181, %get3A_182] : memref<8192x128xf32, #tpu.memory_space<vmem>>, vector<128x128xf32>
    %sub3A_184 = arith.subf %get3A_180, %get3A_183 : vector<128x128xf32>
    %mul3A_185 = arith.mulf %sub3A_184, %sub3A_184 : vector<128x128xf32>
    %dot_general3A_186 = arith.constant dense<0.000000e+00> : vector<1x128xf32>
    %dot_general3A_187 = tpu.matmul %broadcast_in_dim3A_0, %mul3A_185, %dot_general3A_186 {dimension_numbers = #tpu.dot_dimension_numbers<[1], [1], [0], [0], [0, 0, 1, 0], [], []>, transpose_lhs_hint = false} : vector<1x128xf32>, vector<128x128xf32>, vector<1x128xf32> -> vector<1x128xf32>
    %swap3A_188 = arith.constant 14 : index
    %swap3A_189 = arith.constant 0 : index
    %swap3A_190 = vector.load %arg3[%swap3A_188, %swap3A_189] : memref<64x128xf32, #tpu.memory_space<vmem>>, vector<1x128xf32>
    tpu.vector_store %arg3[%swap3A_188, %swap3A_189], %dot_general3A_187 {strides = array<i32>} : memref<64x128xf32, #tpu.memory_space<vmem>>, vector<1x128xf32>,
    %get3A_191 = arith.constant 1920 : index
    %get3A_192 = arith.constant 0 : index
    %get3A_193 = vector.load %arg1[%get3A_191, %get3A_192] : memref<8192x128xf32, #tpu.memory_space<vmem>>, vector<128x128xf32>
    %get3A_194 = arith.constant 1920 : index
    %get3A_195 = arith.constant 0 : index
    %get3A_196 = vector.load %arg2[%get3A_194, %get3A_195] : memref<8192x128xf32, #tpu.memory_space<vmem>>, vector<128x128xf32>
    %sub3A_197 = arith.subf %get3A_193, %get3A_196 : vector<128x128xf32>
    %mul3A_198 = arith.mulf %sub3A_197, %sub3A_197 : vector<128x128xf32>
    %dot_general3A_199 = arith.constant dense<0.000000e+00> : vector<1x128xf32>
    %dot_general3A_200 = tpu.matmul %broadcast_in_dim3A_0, %mul3A_198, %dot_general3A_199 {dimension_numbers = #tpu.dot_dimension_numbers<[1], [1], [0], [0], [0, 0, 1, 0], [], []>, transpose_lhs_hint = false} : vector<1x128xf32>, vector<128x128xf32>, vector<1x128xf32> -> vector<1x128xf32>
    %swap3A_201 = arith.constant 15 : index
    %swap3A_202 = arith.constant 0 : index
    %swap3A_203 = vector.load %arg3[%swap3A_201, %swap3A_202] : memref<64x128xf32, #tpu.memory_space<vmem>>, vector<1x128xf32>
    tpu.vector_store %arg3[%swap3A_201, %swap3A_202], %dot_general3A_200 {strides = array<i32>} : memref<64x128xf32, #tpu.memory_space<vmem>>, vector<1x128xf32>,
    %get3A_204 = arith.constant 2048 : index
    %get3A_205 = arith.constant 0 : index
    %get3A_206 = vector.load %arg1[%get3A_204, %get3A_205] : memref<8192x128xf32, #tpu.memory_space<vmem>>, vector<128x128xf32>
    %get3A_207 = arith.constant 2048 : index
    %get3A_208 = arith.constant 0 : index
    %get3A_209 = vector.load %arg2[%get3A_207, %get3A_208] : memref<8192x128xf32, #tpu.memory_space<vmem>>, vector<128x128xf32>
    %sub3A_210 = arith.subf %get3A_206, %get3A_209 : vector<128x128xf32>
    %mul3A_211 = arith.mulf %sub3A_210, %sub3A_210 : vector<128x128xf32>
    %dot_general3A_212 = arith.constant dense<0.000000e+00> : vector<1x128xf32>
    %dot_general3A_213 = tpu.matmul %broadcast_in_dim3A_0, %mul3A_211, %dot_general3A_212 {dimension_numbers = #tpu.dot_dimension_numbers<[1], [1], [0], [0], [0, 0, 1, 0], [], []>, transpose_lhs_hint = false} : vector<1x128xf32>, vector<128x128xf32>, vector<1x128xf32> -> vector<1x128xf32>
    %swap3A_214 = arith.constant 16 : index
    %swap3A_215 = arith.constant 0 : index
    %swap3A_216 = vector.load %arg3[%swap3A_214, %swap3A_215] : memref<64x128xf32, #tpu.memory_space<vmem>>, vector<1x128xf32>
    tpu.vector_store %arg3[%swap3A_214, %swap3A_215], %dot_general3A_213 {strides = array<i32>} : memref<64x128xf32, #tpu.memory_space<vmem>>, vector<1x128xf32>,
    %get3A_217 = arith.constant 2176 : index
    %get3A_218 = arith.constant 0 : index
    %get3A_219 = vector.load %arg1[%get3A_217, %get3A_218] : memref<8192x128xf32, #tpu.memory_space<vmem>>, vector<128x128xf32>
    %get3A_220 = arith.constant 2176 : index
    %get3A_221 = arith.constant 0 : index
    %get3A_222 = vector.load %arg2[%get3A_220, %get3A_221] : memref<8192x128xf32, #tpu.memory_space<vmem>>, vector<128x128xf32>
    %sub3A_223 = arith.subf %get3A_219, %get3A_222 : vector<128x128xf32>
    %mul3A_224 = arith.mulf %sub3A_223, %sub3A_223 : vector<128x128xf32>
    %dot_general3A_225 = arith.constant dense<0.000000e+00> : vector<1x128xf32>
    %dot_general3A_226 = tpu.matmul %broadcast_in_dim3A_0, %mul3A_224, %dot_general3A_225 {dimension_numbers = #tpu.dot_dimension_numbers<[1], [1], [0], [0], [0, 0, 1, 0], [], []>, transpose_lhs_hint = false} : vector<1x128xf32>, vector<128x128xf32>, vector<1x128xf32> -> vector<1x128xf32>
    %swap3A_227 = arith.constant 17 : index
    %swap3A_228 = arith.constant 0 : index
    %swap3A_229 = vector.load %arg3[%swap3A_227, %swap3A_228] : memref<64x128xf32, #tpu.memory_space<vmem>>, vector<1x128xf32>
    tpu.vector_store %arg3[%swap3A_227, %swap3A_228], %dot_general3A_226 {strides = array<i32>} : memref<64x128xf32, #tpu.memory_space<vmem>>, vector<1x128xf32>,
    %get3A_230 = arith.constant 2304 : index
    %get3A_231 = arith.constant 0 : index
    %get3A_232 = vector.load %arg1[%get3A_230, %get3A_231] : memref<8192x128xf32, #tpu.memory_space<vmem>>, vector<128x128xf32>
    %get3A_233 = arith.constant 2304 : index
    %get3A_234 = arith.constant 0 : index
    %get3A_235 = vector.load %arg2[%get3A_233, %get3A_234] : memref<8192x128xf32, #tpu.memory_space<vmem>>, vector<128x128xf32>
    %sub3A_236 = arith.subf %get3A_232, %get3A_235 : vector<128x128xf32>
    %mul3A_237 = arith.mulf %sub3A_236, %sub3A_236 : vector<128x128xf32>
    %dot_general3A_238 = arith.constant dense<0.000000e+00> : vector<1x128xf32>
    %dot_general3A_239 = tpu.matmul %broadcast_in_dim3A_0, %mul3A_237, %dot_general3A_238 {dimension_numbers = #tpu.dot_dimension_numbers<[1], [1], [0], [0], [0, 0, 1, 0], [], []>, transpose_lhs_hint = false} : vector<1x128xf32>, vector<128x128xf32>, vector<1x128xf32> -> vector<1x128xf32>
    %swap3A_240 = arith.constant 18 : index
    %swap3A_241 = arith.constant 0 : index
    %swap3A_242 = vector.load %arg3[%swap3A_240, %swap3A_241] : memref<64x128xf32, #tpu.memory_space<vmem>>, vector<1x128xf32>
    tpu.vector_store %arg3[%swap3A_240, %swap3A_241], %dot_general3A_239 {strides = array<i32>} : memref<64x128xf32, #tpu.memory_space<vmem>>, vector<1x128xf32>,
    %get3A_243 = arith.constant 2432 : index
    %get3A_244 = arith.constant 0 : index
    %get3A_245 = vector.load %arg1[%get3A_243, %get3A_244] : memref<8192x128xf32, #tpu.memory_space<vmem>>, vector<128x128xf32>
    %get3A_246 = arith.constant 2432 : index
    %get3A_247 = arith.constant 0 : index
    %get3A_248 = vector.load %arg2[%get3A_246, %get3A_247] : memref<8192x128xf32, #tpu.memory_space<vmem>>, vector<128x128xf32>
    %sub3A_249 = arith.subf %get3A_245, %get3A_248 : vector<128x128xf32>
    %mul3A_250 = arith.mulf %sub3A_249, %sub3A_249 : vector<128x128xf32>
    %dot_general3A_251 = arith.constant dense<0.000000e+00> : vector<1x128xf32>
    %dot_general3A_252 = tpu.matmul %broadcast_in_dim3A_0, %mul3A_250, %dot_general3A_251 {dimension_numbers = #tpu.dot_dimension_numbers<[1], [1], [0], [0], [0, 0, 1, 0], [], []>, transpose_lhs_hint = false} : vector<1x128xf32>, vector<128x128xf32>, vector<1x128xf32> -> vector<1x128xf32>
    %swap3A_253 = arith.constant 19 : index
    %swap3A_254 = arith.constant 0 : index
    %swap3A_255 = vector.load %arg3[%swap3A_253, %swap3A_254] : memref<64x128xf32, #tpu.memory_space<vmem>>, vector<1x128xf32>
    tpu.vector_store %arg3[%swap3A_253, %swap3A_254], %dot_general3A_252 {strides = array<i32>} : memref<64x128xf32, #tpu.memory_space<vmem>>, vector<1x128xf32>,
    %get3A_256 = arith.constant 2560 : index
    %get3A_257 = arith.constant 0 : index
    %get3A_258 = vector.load %arg1[%get3A_256, %get3A_257] : memref<8192x128xf32, #tpu.memory_space<vmem>>, vector<128x128xf32>
    %get3A_259 = arith.constant 2560 : index
    %get3A_260 = arith.constant 0 : index
    %get3A_261 = vector.load %arg2[%get3A_259, %get3A_260] : memref<8192x128xf32, #tpu.memory_space<vmem>>, vector<128x128xf32>
    %sub3A_262 = arith.subf %get3A_258, %get3A_261 : vector<128x128xf32>
    %mul3A_263 = arith.mulf %sub3A_262, %sub3A_262 : vector<128x128xf32>
    %dot_general3A_264 = arith.constant dense<0.000000e+00> : vector<1x128xf32>
    %dot_general3A_265 = tpu.matmul %broadcast_in_dim3A_0, %mul3A_263, %dot_general3A_264 {dimension_numbers = #tpu.dot_dimension_numbers<[1], [1], [0], [0], [0, 0, 1, 0], [], []>, transpose_lhs_hint = false} : vector<1x128xf32>, vector<128x128xf32>, vector<1x128xf32> -> vector<1x128xf32>
    %swap3A_266 = arith.constant 20 : index
    %swap3A_267 = arith.constant 0 : index
    %swap3A_268 = vector.load %arg3[%swap3A_266, %swap3A_267] : memref<64x128xf32, #tpu.memory_space<vmem>>, vector<1x128xf32>
    tpu.vector_store %arg3[%swap3A_266, %swap3A_267], %dot_general3A_265 {strides = array<i32>} : memref<64x128xf32, #tpu.memory_space<vmem>>, vector<1x128xf32>,
    %get3A_269 = arith.constant 2688 : index
    %get3A_270 = arith.constant 0 : index
    %get3A_271 = vector.load %arg1[%get3A_269, %get3A_270] : memref<8192x128xf32, #tpu.memory_space<vmem>>, vector<128x128xf32>
    %get3A_272 = arith.constant 2688 : index
    %get3A_273 = arith.constant 0 : index
    %get3A_274 = vector.load %arg2[%get3A_272, %get3A_273] : memref<8192x128xf32, #tpu.memory_space<vmem>>, vector<128x128xf32>
    %sub3A_275 = arith.subf %get3A_271, %get3A_274 : vector<128x128xf32>
    %mul3A_276 = arith.mulf %sub3A_275, %sub3A_275 : vector<128x128xf32>
    %dot_general3A_277 = arith.constant dense<0.000000e+00> : vector<1x128xf32>
    %dot_general3A_278 = tpu.matmul %broadcast_in_dim3A_0, %mul3A_276, %dot_general3A_277 {dimension_numbers = #tpu.dot_dimension_numbers<[1], [1], [0], [0], [0, 0, 1, 0], [], []>, transpose_lhs_hint = false} : vector<1x128xf32>, vector<128x128xf32>, vector<1x128xf32> -> vector<1x128xf32>
    %swap3A_279 = arith.constant 21 : index
    %swap3A_280 = arith.constant 0 : index
    %swap3A_281 = vector.load %arg3[%swap3A_279, %swap3A_280] : memref<64x128xf32, #tpu.memory_space<vmem>>, vector<1x128xf32>
    tpu.vector_store %arg3[%swap3A_279, %swap3A_280], %dot_general3A_278 {strides = array<i32>} : memref<64x128xf32, #tpu.memory_space<vmem>>, vector<1x128xf32>,
    %get3A_282 = arith.constant 2816 : index
    %get3A_283 = arith.constant 0 : index
    %get3A_284 = vector.load %arg1[%get3A_282, %get3A_283] : memref<8192x128xf32, #tpu.memory_space<vmem>>, vector<128x128xf32>
    %get3A_285 = arith.constant 2816 : index
    %get3A_286 = arith.constant 0 : index
    %get3A_287 = vector.load %arg2[%get3A_285, %get3A_286] : memref<8192x128xf32, #tpu.memory_space<vmem>>, vector<128x128xf32>
    %sub3A_288 = arith.subf %get3A_284, %get3A_287 : vector<128x128xf32>
    %mul3A_289 = arith.mulf %sub3A_288, %sub3A_288 : vector<128x128xf32>
    %dot_general3A_290 = arith.constant dense<0.000000e+00> : vector<1x128xf32>
    %dot_general3A_291 = tpu.matmul %broadcast_in_dim3A_0, %mul3A_289, %dot_general3A_290 {dimension_numbers = #tpu.dot_dimension_numbers<[1], [1], [0], [0], [0, 0, 1, 0], [], []>, transpose_lhs_hint = false} : vector<1x128xf32>, vector<128x128xf32>, vector<1x128xf32> -> vector<1x128xf32>
    %swap3A_292 = arith.constant 22 : index
    %swap3A_293 = arith.constant 0 : index
    %swap3A_294 = vector.load %arg3[%swap3A_292, %swap3A_293] : memref<64x128xf32, #tpu.memory_space<vmem>>, vector<1x128xf32>
    tpu.vector_store %arg3[%swap3A_292, %swap3A_293], %dot_general3A_291 {strides = array<i32>} : memref<64x128xf32, #tpu.memory_space<vmem>>, vector<1x128xf32>,
    %get3A_295 = arith.constant 2944 : index
    %get3A_296 = arith.constant 0 : index
    %get3A_297 = vector.load %arg1[%get3A_295, %get3A_296] : memref<8192x128xf32, #tpu.memory_space<vmem>>, vector<128x128xf32>
    %get3A_298 = arith.constant 2944 : index
    %get3A_299 = arith.constant 0 : index
    %get3A_300 = vector.load %arg2[%get3A_298, %get3A_299] : memref<8192x128xf32, #tpu.memory_space<vmem>>, vector<128x128xf32>
    %sub3A_301 = arith.subf %get3A_297, %get3A_300 : vector<128x128xf32>
    %mul3A_302 = arith.mulf %sub3A_301, %sub3A_301 : vector<128x128xf32>
    %dot_general3A_303 = arith.constant dense<0.000000e+00> : vector<1x128xf32>
    %dot_general3A_304 = tpu.matmul %broadcast_in_dim3A_0, %mul3A_302, %dot_general3A_303 {dimension_numbers = #tpu.dot_dimension_numbers<[1], [1], [0], [0], [0, 0, 1, 0], [], []>, transpose_lhs_hint = false} : vector<1x128xf32>, vector<128x128xf32>, vector<1x128xf32> -> vector<1x128xf32>
    %swap3A_305 = arith.constant 23 : index
    %swap3A_306 = arith.constant 0 : index
    %swap3A_307 = vector.load %arg3[%swap3A_305, %swap3A_306] : memref<64x128xf32, #tpu.memory_space<vmem>>, vector<1x128xf32>
    tpu.vector_store %arg3[%swap3A_305, %swap3A_306], %dot_general3A_304 {strides = array<i32>} : memref<64x128xf32, #tpu.memory_space<vmem>>, vector<1x128xf32>,
    %get3A_308 = arith.constant 3072 : index
    %get3A_309 = arith.constant 0 : index
    %get3A_310 = vector.load %arg1[%get3A_308, %get3A_309] : memref<8192x128xf32, #tpu.memory_space<vmem>>, vector<128x128xf32>
    %get3A_311 = arith.constant 3072 : index
    %get3A_312 = arith.constant 0 : index
    %get3A_313 = vector.load %arg2[%get3A_311, %get3A_312] : memref<8192x128xf32, #tpu.memory_space<vmem>>, vector<128x128xf32>
    %sub3A_314 = arith.subf %get3A_310, %get3A_313 : vector<128x128xf32>
    %mul3A_315 = arith.mulf %sub3A_314, %sub3A_314 : vector<128x128xf32>
    %dot_general3A_316 = arith.constant dense<0.000000e+00> : vector<1x128xf32>
    %dot_general3A_317 = tpu.matmul %broadcast_in_dim3A_0, %mul3A_315, %dot_general3A_316 {dimension_numbers = #tpu.dot_dimension_numbers<[1], [1], [0], [0], [0, 0, 1, 0], [], []>, transpose_lhs_hint = false} : vector<1x128xf32>, vector<128x128xf32>, vector<1x128xf32> -> vector<1x128xf32>
    %swap3A_318 = arith.constant 24 : index
    %swap3A_319 = arith.constant 0 : index
    %swap3A_320 = vector.load %arg3[%swap3A_318, %swap3A_319] : memref<64x128xf32, #tpu.memory_space<vmem>>, vector<1x128xf32>
    tpu.vector_store %arg3[%swap3A_318, %swap3A_319], %dot_general3A_317 {strides = array<i32>} : memref<64x128xf32, #tpu.memory_space<vmem>>, vector<1x128xf32>,
    %get3A_321 = arith.constant 3200 : index
    %get3A_322 = arith.constant 0 : index
    %get3A_323 = vector.load %arg1[%get3A_321, %get3A_322] : memref<8192x128xf32, #tpu.memory_space<vmem>>, vector<128x128xf32>
    %get3A_324 = arith.constant 3200 : index
    %get3A_325 = arith.constant 0 : index
    %get3A_326 = vector.load %arg2[%get3A_324, %get3A_325] : memref<8192x128xf32, #tpu.memory_space<vmem>>, vector<128x128xf32>
    %sub3A_327 = arith.subf %get3A_323, %get3A_326 : vector<128x128xf32>
    %mul3A_328 = arith.mulf %sub3A_327, %sub3A_327 : vector<128x128xf32>
    %dot_general3A_329 = arith.constant dense<0.000000e+00> : vector<1x128xf32>
    %dot_general3A_330 = tpu.matmul %broadcast_in_dim3A_0, %mul3A_328, %dot_general3A_329 {dimension_numbers = #tpu.dot_dimension_numbers<[1], [1], [0], [0], [0, 0, 1, 0], [], []>, transpose_lhs_hint = false} : vector<1x128xf32>, vector<128x128xf32>, vector<1x128xf32> -> vector<1x128xf32>
    %swap3A_331 = arith.constant 25 : index
    %swap3A_332 = arith.constant 0 : index
    %swap3A_333 = vector.load %arg3[%swap3A_331, %swap3A_332] : memref<64x128xf32, #tpu.memory_space<vmem>>, vector<1x128xf32>
    tpu.vector_store %arg3[%swap3A_331, %swap3A_332], %dot_general3A_330 {strides = array<i32>} : memref<64x128xf32, #tpu.memory_space<vmem>>, vector<1x128xf32>,
    %get3A_334 = arith.constant 3328 : index
    %get3A_335 = arith.constant 0 : index
    %get3A_336 = vector.load %arg1[%get3A_334, %get3A_335] : memref<8192x128xf32, #tpu.memory_space<vmem>>, vector<128x128xf32>
    %get3A_337 = arith.constant 3328 : index
    %get3A_338 = arith.constant 0 : index
    %get3A_339 = vector.load %arg2[%get3A_337, %get3A_338] : memref<8192x128xf32, #tpu.memory_space<vmem>>, vector<128x128xf32>
    %sub3A_340 = arith.subf %get3A_336, %get3A_339 : vector<128x128xf32>
    %mul3A_341 = arith.mulf %sub3A_340, %sub3A_340 : vector<128x128xf32>
    %dot_general3A_342 = arith.constant dense<0.000000e+00> : vector<1x128xf32>
    %dot_general3A_343 = tpu.matmul %broadcast_in_dim3A_0, %mul3A_341, %dot_general3A_342 {dimension_numbers = #tpu.dot_dimension_numbers<[1], [1], [0], [0], [0, 0, 1, 0], [], []>, transpose_lhs_hint = false} : vector<1x128xf32>, vector<128x128xf32>, vector<1x128xf32> -> vector<1x128xf32>
    %swap3A_344 = arith.constant 26 : index
    %swap3A_345 = arith.constant 0 : index
    %swap3A_346 = vector.load %arg3[%swap3A_344, %swap3A_345] : memref<64x128xf32, #tpu.memory_space<vmem>>, vector<1x128xf32>
    tpu.vector_store %arg3[%swap3A_344, %swap3A_345], %dot_general3A_343 {strides = array<i32>} : memref<64x128xf32, #tpu.memory_space<vmem>>, vector<1x128xf32>,
    %get3A_347 = arith.constant 3456 : index
    %get3A_348 = arith.constant 0 : index
    %get3A_349 = vector.load %arg1[%get3A_347, %get3A_348] : memref<8192x128xf32, #tpu.memory_space<vmem>>, vector<128x128xf32>
    %get3A_350 = arith.constant 3456 : index
    %get3A_351 = arith.constant 0 : index
    %get3A_352 = vector.load %arg2[%get3A_350, %get3A_351] : memref<8192x128xf32, #tpu.memory_space<vmem>>, vector<128x128xf32>
    %sub3A_353 = arith.subf %get3A_349, %get3A_352 : vector<128x128xf32>
    %mul3A_354 = arith.mulf %sub3A_353, %sub3A_353 : vector<128x128xf32>
    %dot_general3A_355 = arith.constant dense<0.000000e+00> : vector<1x128xf32>
    %dot_general3A_356 = tpu.matmul %broadcast_in_dim3A_0, %mul3A_354, %dot_general3A_355 {dimension_numbers = #tpu.dot_dimension_numbers<[1], [1], [0], [0], [0, 0, 1, 0], [], []>, transpose_lhs_hint = false} : vector<1x128xf32>, vector<128x128xf32>, vector<1x128xf32> -> vector<1x128xf32>
    %swap3A_357 = arith.constant 27 : index
    %swap3A_358 = arith.constant 0 : index
    %swap3A_359 = vector.load %arg3[%swap3A_357, %swap3A_358] : memref<64x128xf32, #tpu.memory_space<vmem>>, vector<1x128xf32>
    tpu.vector_store %arg3[%swap3A_357, %swap3A_358], %dot_general3A_356 {strides = array<i32>} : memref<64x128xf32, #tpu.memory_space<vmem>>, vector<1x128xf32>,
    %get3A_360 = arith.constant 3584 : index
    %get3A_361 = arith.constant 0 : index
    %get3A_362 = vector.load %arg1[%get3A_360, %get3A_361] : memref<8192x128xf32, #tpu.memory_space<vmem>>, vector<128x128xf32>
    %get3A_363 = arith.constant 3584 : index
    %get3A_364 = arith.constant 0 : index
    %get3A_365 = vector.load %arg2[%get3A_363, %get3A_364] : memref<8192x128xf32, #tpu.memory_space<vmem>>, vector<128x128xf32>
    %sub3A_366 = arith.subf %get3A_362, %get3A_365 : vector<128x128xf32>
    %mul3A_367 = arith.mulf %sub3A_366, %sub3A_366 : vector<128x128xf32>
    %dot_general3A_368 = arith.constant dense<0.000000e+00> : vector<1x128xf32>
    %dot_general3A_369 = tpu.matmul %broadcast_in_dim3A_0, %mul3A_367, %dot_general3A_368 {dimension_numbers = #tpu.dot_dimension_numbers<[1], [1], [0], [0], [0, 0, 1, 0], [], []>, transpose_lhs_hint = false} : vector<1x128xf32>, vector<128x128xf32>, vector<1x128xf32> -> vector<1x128xf32>
    %swap3A_370 = arith.constant 28 : index
    %swap3A_371 = arith.constant 0 : index
    %swap3A_372 = vector.load %arg3[%swap3A_370, %swap3A_371] : memref<64x128xf32, #tpu.memory_space<vmem>>, vector<1x128xf32>
    tpu.vector_store %arg3[%swap3A_370, %swap3A_371], %dot_general3A_369 {strides = array<i32>} : memref<64x128xf32, #tpu.memory_space<vmem>>, vector<1x128xf32>,
    %get3A_373 = arith.constant 3712 : index
    %get3A_374 = arith.constant 0 : index
    %get3A_375 = vector.load %arg1[%get3A_373, %get3A_374] : memref<8192x128xf32, #tpu.memory_space<vmem>>, vector<128x128xf32>
    %get3A_376 = arith.constant 3712 : index
    %get3A_377 = arith.constant 0 : index
    %get3A_378 = vector.load %arg2[%get3A_376, %get3A_377] : memref<8192x128xf32, #tpu.memory_space<vmem>>, vector<128x128xf32>
    %sub3A_379 = arith.subf %get3A_375, %get3A_378 : vector<128x128xf32>
    %mul3A_380 = arith.mulf %sub3A_379, %sub3A_379 : vector<128x128xf32>
    %dot_general3A_381 = arith.constant dense<0.000000e+00> : vector<1x128xf32>
    %dot_general3A_382 = tpu.matmul %broadcast_in_dim3A_0, %mul3A_380, %dot_general3A_381 {dimension_numbers = #tpu.dot_dimension_numbers<[1], [1], [0], [0], [0, 0, 1, 0], [], []>, transpose_lhs_hint = false} : vector<1x128xf32>, vector<128x128xf32>, vector<1x128xf32> -> vector<1x128xf32>
    %swap3A_383 = arith.constant 29 : index
    %swap3A_384 = arith.constant 0 : index
    %swap3A_385 = vector.load %arg3[%swap3A_383, %swap3A_384] : memref<64x128xf32, #tpu.memory_space<vmem>>, vector<1x128xf32>
    tpu.vector_store %arg3[%swap3A_383, %swap3A_384], %dot_general3A_382 {strides = array<i32>} : memref<64x128xf32, #tpu.memory_space<vmem>>, vector<1x128xf32>,
    %get3A_386 = arith.constant 3840 : index
    %get3A_387 = arith.constant 0 : index
    %get3A_388 = vector.load %arg1[%get3A_386, %get3A_387] : memref<8192x128xf32, #tpu.memory_space<vmem>>, vector<128x128xf32>
    %get3A_389 = arith.constant 3840 : index
    %get3A_390 = arith.constant 0 : index
    %get3A_391 = vector.load %arg2[%get3A_389, %get3A_390] : memref<8192x128xf32, #tpu.memory_space<vmem>>, vector<128x128xf32>
    %sub3A_392 = arith.subf %get3A_388, %get3A_391 : vector<128x128xf32>
    %mul3A_393 = arith.mulf %sub3A_392, %sub3A_392 : vector<128x128xf32>
    %dot_general3A_394 = arith.constant dense<0.000000e+00> : vector<1x128xf32>
    %dot_general3A_395 = tpu.matmul %broadcast_in_dim3A_0, %mul3A_393, %dot_general3A_394 {dimension_numbers = #tpu.dot_dimension_numbers<[1], [1], [0], [0], [0, 0, 1, 0], [], []>, transpose_lhs_hint = false} : vector<1x128xf32>, vector<128x128xf32>, vector<1x128xf32> -> vector<1x128xf32>
    %swap3A_396 = arith.constant 30 : index
    %swap3A_397 = arith.constant 0 : index
    %swap3A_398 = vector.load %arg3[%swap3A_396, %swap3A_397] : memref<64x128xf32, #tpu.memory_space<vmem>>, vector<1x128xf32>
    tpu.vector_store %arg3[%swap3A_396, %swap3A_397], %dot_general3A_395 {strides = array<i32>} : memref<64x128xf32, #tpu.memory_space<vmem>>, vector<1x128xf32>,
    %get3A_399 = arith.constant 3968 : index
    %get3A_400 = arith.constant 0 : index
    %get3A_401 = vector.load %arg1[%get3A_399, %get3A_400] : memref<8192x128xf32, #tpu.memory_space<vmem>>, vector<128x128xf32>
    %get3A_402 = arith.constant 3968 : index
    %get3A_403 = arith.constant 0 : index
    %get3A_404 = vector.load %arg2[%get3A_402, %get3A_403] : memref<8192x128xf32, #tpu.memory_space<vmem>>, vector<128x128xf32>
    %sub3A_405 = arith.subf %get3A_401, %get3A_404 : vector<128x128xf32>
    %mul3A_406 = arith.mulf %sub3A_405, %sub3A_405 : vector<128x128xf32>
    %dot_general3A_407 = arith.constant dense<0.000000e+00> : vector<1x128xf32>
    %dot_general3A_408 = tpu.matmul %broadcast_in_dim3A_0, %mul3A_406, %dot_general3A_407 {dimension_numbers = #tpu.dot_dimension_numbers<[1], [1], [0], [0], [0, 0, 1, 0], [], []>, transpose_lhs_hint = false} : vector<1x128xf32>, vector<128x128xf32>, vector<1x128xf32> -> vector<1x128xf32>
    %swap3A_409 = arith.constant 31 : index
    %swap3A_410 = arith.constant 0 : index
    %swap3A_411 = vector.load %arg3[%swap3A_409, %swap3A_410] : memref<64x128xf32, #tpu.memory_space<vmem>>, vector<1x128xf32>
    tpu.vector_store %arg3[%swap3A_409, %swap3A_410], %dot_general3A_408 {strides = array<i32>} : memref<64x128xf32, #tpu.memory_space<vmem>>, vector<1x128xf32>,
    %get3A_412 = arith.constant 4096 : index
    %get3A_413 = arith.constant 0 : index
    %get3A_414 = vector.load %arg1[%get3A_412, %get3A_413] : memref<8192x128xf32, #tpu.memory_space<vmem>>, vector<128x128xf32>
    %get3A_415 = arith.constant 4096 : index
    %get3A_416 = arith.constant 0 : index
    %get3A_417 = vector.load %arg2[%get3A_415, %get3A_416] : memref<8192x128xf32, #tpu.memory_space<vmem>>, vector<128x128xf32>
    %sub3A_418 = arith.subf %get3A_414, %get3A_417 : vector<128x128xf32>
    %mul3A_419 = arith.mulf %sub3A_418, %sub3A_418 : vector<128x128xf32>
    %dot_general3A_420 = arith.constant dense<0.000000e+00> : vector<1x128xf32>
    %dot_general3A_421 = tpu.matmul %broadcast_in_dim3A_0, %mul3A_419, %dot_general3A_420 {dimension_numbers = #tpu.dot_dimension_numbers<[1], [1], [0], [0], [0, 0, 1, 0], [], []>, transpose_lhs_hint = false} : vector<1x128xf32>, vector<128x128xf32>, vector<1x128xf32> -> vector<1x128xf32>
    %swap3A_422 = arith.constant 32 : index
    %swap3A_423 = arith.constant 0 : index
    %swap3A_424 = vector.load %arg3[%swap3A_422, %swap3A_423] : memref<64x128xf32, #tpu.memory_space<vmem>>, vector<1x128xf32>
    tpu.vector_store %arg3[%swap3A_422, %swap3A_423], %dot_general3A_421 {strides = array<i32>} : memref<64x128xf32, #tpu.memory_space<vmem>>, vector<1x128xf32>,
    %get3A_425 = arith.constant 4224 : index
    %get3A_426 = arith.constant 0 : index
    %get3A_427 = vector.load %arg1[%get3A_425, %get3A_426] : memref<8192x128xf32, #tpu.memory_space<vmem>>, vector<128x128xf32>
    %get3A_428 = arith.constant 4224 : index
    %get3A_429 = arith.constant 0 : index
    %get3A_430 = vector.load %arg2[%get3A_428, %get3A_429] : memref<8192x128xf32, #tpu.memory_space<vmem>>, vector<128x128xf32>
    %sub3A_431 = arith.subf %get3A_427, %get3A_430 : vector<128x128xf32>
    %mul3A_432 = arith.mulf %sub3A_431, %sub3A_431 : vector<128x128xf32>
    %dot_general3A_433 = arith.constant dense<0.000000e+00> : vector<1x128xf32>
    %dot_general3A_434 = tpu.matmul %broadcast_in_dim3A_0, %mul3A_432, %dot_general3A_433 {dimension_numbers = #tpu.dot_dimension_numbers<[1], [1], [0], [0], [0, 0, 1, 0], [], []>, transpose_lhs_hint = false} : vector<1x128xf32>, vector<128x128xf32>, vector<1x128xf32> -> vector<1x128xf32>
    %swap3A_435 = arith.constant 33 : index
    %swap3A_436 = arith.constant 0 : index
    %swap3A_437 = vector.load %arg3[%swap3A_435, %swap3A_436] : memref<64x128xf32, #tpu.memory_space<vmem>>, vector<1x128xf32>
    tpu.vector_store %arg3[%swap3A_435, %swap3A_436], %dot_general3A_434 {strides = array<i32>} : memref<64x128xf32, #tpu.memory_space<vmem>>, vector<1x128xf32>,
    %get3A_438 = arith.constant 4352 : index
    %get3A_439 = arith.constant 0 : index
    %get3A_440 = vector.load %arg1[%get3A_438, %get3A_439] : memref<8192x128xf32, #tpu.memory_space<vmem>>, vector<128x128xf32>
    %get3A_441 = arith.constant 4352 : index
    %get3A_442 = arith.constant 0 : index
    %get3A_443 = vector.load %arg2[%get3A_441, %get3A_442] : memref<8192x128xf32, #tpu.memory_space<vmem>>, vector<128x128xf32>
    %sub3A_444 = arith.subf %get3A_440, %get3A_443 : vector<128x128xf32>
    %mul3A_445 = arith.mulf %sub3A_444, %sub3A_444 : vector<128x128xf32>
    %dot_general3A_446 = arith.constant dense<0.000000e+00> : vector<1x128xf32>
    %dot_general3A_447 = tpu.matmul %broadcast_in_dim3A_0, %mul3A_445, %dot_general3A_446 {dimension_numbers = #tpu.dot_dimension_numbers<[1], [1], [0], [0], [0, 0, 1, 0], [], []>, transpose_lhs_hint = false} : vector<1x128xf32>, vector<128x128xf32>, vector<1x128xf32> -> vector<1x128xf32>
    %swap3A_448 = arith.constant 34 : index
    %swap3A_449 = arith.constant 0 : index
    %swap3A_450 = vector.load %arg3[%swap3A_448, %swap3A_449] : memref<64x128xf32, #tpu.memory_space<vmem>>, vector<1x128xf32>
    tpu.vector_store %arg3[%swap3A_448, %swap3A_449], %dot_general3A_447 {strides = array<i32>} : memref<64x128xf32, #tpu.memory_space<vmem>>, vector<1x128xf32>,
    %get3A_451 = arith.constant 4480 : index
    %get3A_452 = arith.constant 0 : index
    %get3A_453 = vector.load %arg1[%get3A_451, %get3A_452] : memref<8192x128xf32, #tpu.memory_space<vmem>>, vector<128x128xf32>
    %get3A_454 = arith.constant 4480 : index
    %get3A_455 = arith.constant 0 : index
    %get3A_456 = vector.load %arg2[%get3A_454, %get3A_455] : memref<8192x128xf32, #tpu.memory_space<vmem>>, vector<128x128xf32>
    %sub3A_457 = arith.subf %get3A_453, %get3A_456 : vector<128x128xf32>
    %mul3A_458 = arith.mulf %sub3A_457, %sub3A_457 : vector<128x128xf32>
    %dot_general3A_459 = arith.constant dense<0.000000e+00> : vector<1x128xf32>
    %dot_general3A_460 = tpu.matmul %broadcast_in_dim3A_0, %mul3A_458, %dot_general3A_459 {dimension_numbers = #tpu.dot_dimension_numbers<[1], [1], [0], [0], [0, 0, 1, 0], [], []>, transpose_lhs_hint = false} : vector<1x128xf32>, vector<128x128xf32>, vector<1x128xf32> -> vector<1x128xf32>
    %swap3A_461 = arith.constant 35 : index
    %swap3A_462 = arith.constant 0 : index
    %swap3A_463 = vector.load %arg3[%swap3A_461, %swap3A_462] : memref<64x128xf32, #tpu.memory_space<vmem>>, vector<1x128xf32>
    tpu.vector_store %arg3[%swap3A_461, %swap3A_462], %dot_general3A_460 {strides = array<i32>} : memref<64x128xf32, #tpu.memory_space<vmem>>, vector<1x128xf32>,
    %get3A_464 = arith.constant 4608 : index
    %get3A_465 = arith.constant 0 : index
    %get3A_466 = vector.load %arg1[%get3A_464, %get3A_465] : memref<8192x128xf32, #tpu.memory_space<vmem>>, vector<128x128xf32>
    %get3A_467 = arith.constant 4608 : index
    %get3A_468 = arith.constant 0 : index
    %get3A_469 = vector.load %arg2[%get3A_467, %get3A_468] : memref<8192x128xf32, #tpu.memory_space<vmem>>, vector<128x128xf32>
    %sub3A_470 = arith.subf %get3A_466, %get3A_469 : vector<128x128xf32>
    %mul3A_471 = arith.mulf %sub3A_470, %sub3A_470 : vector<128x128xf32>
    %dot_general3A_472 = arith.constant dense<0.000000e+00> : vector<1x128xf32>
    %dot_general3A_473 = tpu.matmul %broadcast_in_dim3A_0, %mul3A_471, %dot_general3A_472 {dimension_numbers = #tpu.dot_dimension_numbers<[1], [1], [0], [0], [0, 0, 1, 0], [], []>, transpose_lhs_hint = false} : vector<1x128xf32>, vector<128x128xf32>, vector<1x128xf32> -> vector<1x128xf32>
    %swap3A_474 = arith.constant 36 : index
    %swap3A_475 = arith.constant 0 : index
    %swap3A_476 = vector.load %arg3[%swap3A_474, %swap3A_475] : memref<64x128xf32, #tpu.memory_space<vmem>>, vector<1x128xf32>
    tpu.vector_store %arg3[%swap3A_474, %swap3A_475], %dot_general3A_473 {strides = array<i32>} : memref<64x128xf32, #tpu.memory_space<vmem>>, vector<1x128xf32>,
    %get3A_477 = arith.constant 4736 : index
    %get3A_478 = arith.constant 0 : index
    %get3A_479 = vector.load %arg1[%get3A_477, %get3A_478] : memref<8192x128xf32, #tpu.memory_space<vmem>>, vector<128x128xf32>
    %get3A_480 = arith.constant 4736 : index
    %get3A_481 = arith.constant 0 : index
    %get3A_482 = vector.load %arg2[%get3A_480, %get3A_481] : memref<8192x128xf32, #tpu.memory_space<vmem>>, vector<128x128xf32>
    %sub3A_483 = arith.subf %get3A_479, %get3A_482 : vector<128x128xf32>
    %mul3A_484 = arith.mulf %sub3A_483, %sub3A_483 : vector<128x128xf32>
    %dot_general3A_485 = arith.constant dense<0.000000e+00> : vector<1x128xf32>
    %dot_general3A_486 = tpu.matmul %broadcast_in_dim3A_0, %mul3A_484, %dot_general3A_485 {dimension_numbers = #tpu.dot_dimension_numbers<[1], [1], [0], [0], [0, 0, 1, 0], [], []>, transpose_lhs_hint = false} : vector<1x128xf32>, vector<128x128xf32>, vector<1x128xf32> -> vector<1x128xf32>
    %swap3A_487 = arith.constant 37 : index
    %swap3A_488 = arith.constant 0 : index
    %swap3A_489 = vector.load %arg3[%swap3A_487, %swap3A_488] : memref<64x128xf32, #tpu.memory_space<vmem>>, vector<1x128xf32>
    tpu.vector_store %arg3[%swap3A_487, %swap3A_488], %dot_general3A_486 {strides = array<i32>} : memref<64x128xf32, #tpu.memory_space<vmem>>, vector<1x128xf32>,
    %get3A_490 = arith.constant 4864 : index
    %get3A_491 = arith.constant 0 : index
    %get3A_492 = vector.load %arg1[%get3A_490, %get3A_491] : memref<8192x128xf32, #tpu.memory_space<vmem>>, vector<128x128xf32>
    %get3A_493 = arith.constant 4864 : index
    %get3A_494 = arith.constant 0 : index
    %get3A_495 = vector.load %arg2[%get3A_493, %get3A_494] : memref<8192x128xf32, #tpu.memory_space<vmem>>, vector<128x128xf32>
    %sub3A_496 = arith.subf %get3A_492, %get3A_495 : vector<128x128xf32>
    %mul3A_497 = arith.mulf %sub3A_496, %sub3A_496 : vector<128x128xf32>
    %dot_general3A_498 = arith.constant dense<0.000000e+00> : vector<1x128xf32>
    %dot_general3A_499 = tpu.matmul %broadcast_in_dim3A_0, %mul3A_497, %dot_general3A_498 {dimension_numbers = #tpu.dot_dimension_numbers<[1], [1], [0], [0], [0, 0, 1, 0], [], []>, transpose_lhs_hint = false} : vector<1x128xf32>, vector<128x128xf32>, vector<1x128xf32> -> vector<1x128xf32>
    %swap3A_500 = arith.constant 38 : index
    %swap3A_501 = arith.constant 0 : index
    %swap3A_502 = vector.load %arg3[%swap3A_500, %swap3A_501] : memref<64x128xf32, #tpu.memory_space<vmem>>, vector<1x128xf32>
    tpu.vector_store %arg3[%swap3A_500, %swap3A_501], %dot_general3A_499 {strides = array<i32>} : memref<64x128xf32, #tpu.memory_space<vmem>>, vector<1x128xf32>,
    %get3A_503 = arith.constant 4992 : index
    %get3A_504 = arith.constant 0 : index
    %get3A_505 = vector.load %arg1[%get3A_503, %get3A_504] : memref<8192x128xf32, #tpu.memory_space<vmem>>, vector<128x128xf32>
    %get3A_506 = arith.constant 4992 : index
    %get3A_507 = arith.constant 0 : index
    %get3A_508 = vector.load %arg2[%get3A_506, %get3A_507] : memref<8192x128xf32, #tpu.memory_space<vmem>>, vector<128x128xf32>
    %sub3A_509 = arith.subf %get3A_505, %get3A_508 : vector<128x128xf32>
    %mul3A_510 = arith.mulf %sub3A_509, %sub3A_509 : vector<128x128xf32>
    %dot_general3A_511 = arith.constant dense<0.000000e+00> : vector<1x128xf32>
    %dot_general3A_512 = tpu.matmul %broadcast_in_dim3A_0, %mul3A_510, %dot_general3A_511 {dimension_numbers = #tpu.dot_dimension_numbers<[1], [1], [0], [0], [0, 0, 1, 0], [], []>, transpose_lhs_hint = false} : vector<1x128xf32>, vector<128x128xf32>, vector<1x128xf32> -> vector<1x128xf32>
    %swap3A_513 = arith.constant 39 : index
    %swap3A_514 = arith.constant 0 : index
    %swap3A_515 = vector.load %arg3[%swap3A_513, %swap3A_514] : memref<64x128xf32, #tpu.memory_space<vmem>>, vector<1x128xf32>
    tpu.vector_store %arg3[%swap3A_513, %swap3A_514], %dot_general3A_512 {strides = array<i32>} : memref<64x128xf32, #tpu.memory_space<vmem>>, vector<1x128xf32>,
    %get3A_516 = arith.constant 5120 : index
    %get3A_517 = arith.constant 0 : index
    %get3A_518 = vector.load %arg1[%get3A_516, %get3A_517] : memref<8192x128xf32, #tpu.memory_space<vmem>>, vector<128x128xf32>
    %get3A_519 = arith.constant 5120 : index
    %get3A_520 = arith.constant 0 : index
    %get3A_521 = vector.load %arg2[%get3A_519, %get3A_520] : memref<8192x128xf32, #tpu.memory_space<vmem>>, vector<128x128xf32>
    %sub3A_522 = arith.subf %get3A_518, %get3A_521 : vector<128x128xf32>
    %mul3A_523 = arith.mulf %sub3A_522, %sub3A_522 : vector<128x128xf32>
    %dot_general3A_524 = arith.constant dense<0.000000e+00> : vector<1x128xf32>
    %dot_general3A_525 = tpu.matmul %broadcast_in_dim3A_0, %mul3A_523, %dot_general3A_524 {dimension_numbers = #tpu.dot_dimension_numbers<[1], [1], [0], [0], [0, 0, 1, 0], [], []>, transpose_lhs_hint = false} : vector<1x128xf32>, vector<128x128xf32>, vector<1x128xf32> -> vector<1x128xf32>
    %swap3A_526 = arith.constant 40 : index
    %swap3A_527 = arith.constant 0 : index
    %swap3A_528 = vector.load %arg3[%swap3A_526, %swap3A_527] : memref<64x128xf32, #tpu.memory_space<vmem>>, vector<1x128xf32>
    tpu.vector_store %arg3[%swap3A_526, %swap3A_527], %dot_general3A_525 {strides = array<i32>} : memref<64x128xf32, #tpu.memory_space<vmem>>, vector<1x128xf32>,
    %get3A_529 = arith.constant 5248 : index
    %get3A_530 = arith.constant 0 : index
    %get3A_531 = vector.load %arg1[%get3A_529, %get3A_530] : memref<8192x128xf32, #tpu.memory_space<vmem>>, vector<128x128xf32>
    %get3A_532 = arith.constant 5248 : index
    %get3A_533 = arith.constant 0 : index
    %get3A_534 = vector.load %arg2[%get3A_532, %get3A_533] : memref<8192x128xf32, #tpu.memory_space<vmem>>, vector<128x128xf32>
    %sub3A_535 = arith.subf %get3A_531, %get3A_534 : vector<128x128xf32>
    %mul3A_536 = arith.mulf %sub3A_535, %sub3A_535 : vector<128x128xf32>
    %dot_general3A_537 = arith.constant dense<0.000000e+00> : vector<1x128xf32>
    %dot_general3A_538 = tpu.matmul %broadcast_in_dim3A_0, %mul3A_536, %dot_general3A_537 {dimension_numbers = #tpu.dot_dimension_numbers<[1], [1], [0], [0], [0, 0, 1, 0], [], []>, transpose_lhs_hint = false} : vector<1x128xf32>, vector<128x128xf32>, vector<1x128xf32> -> vector<1x128xf32>
    %swap3A_539 = arith.constant 41 : index
    %swap3A_540 = arith.constant 0 : index
    %swap3A_541 = vector.load %arg3[%swap3A_539, %swap3A_540] : memref<64x128xf32, #tpu.memory_space<vmem>>, vector<1x128xf32>
    tpu.vector_store %arg3[%swap3A_539, %swap3A_540], %dot_general3A_538 {strides = array<i32>} : memref<64x128xf32, #tpu.memory_space<vmem>>, vector<1x128xf32>,
    %get3A_542 = arith.constant 5376 : index
    %get3A_543 = arith.constant 0 : index
    %get3A_544 = vector.load %arg1[%get3A_542, %get3A_543] : memref<8192x128xf32, #tpu.memory_space<vmem>>, vector<128x128xf32>
    %get3A_545 = arith.constant 5376 : index
    %get3A_546 = arith.constant 0 : index
    %get3A_547 = vector.load %arg2[%get3A_545, %get3A_546] : memref<8192x128xf32, #tpu.memory_space<vmem>>, vector<128x128xf32>
    %sub3A_548 = arith.subf %get3A_544, %get3A_547 : vector<128x128xf32>
    %mul3A_549 = arith.mulf %sub3A_548, %sub3A_548 : vector<128x128xf32>
    %dot_general3A_550 = arith.constant dense<0.000000e+00> : vector<1x128xf32>
    %dot_general3A_551 = tpu.matmul %broadcast_in_dim3A_0, %mul3A_549, %dot_general3A_550 {dimension_numbers = #tpu.dot_dimension_numbers<[1], [1], [0], [0], [0, 0, 1, 0], [], []>, transpose_lhs_hint = false} : vector<1x128xf32>, vector<128x128xf32>, vector<1x128xf32> -> vector<1x128xf32>
    %swap3A_552 = arith.constant 42 : index
    %swap3A_553 = arith.constant 0 : index
    %swap3A_554 = vector.load %arg3[%swap3A_552, %swap3A_553] : memref<64x128xf32, #tpu.memory_space<vmem>>, vector<1x128xf32>
    tpu.vector_store %arg3[%swap3A_552, %swap3A_553], %dot_general3A_551 {strides = array<i32>} : memref<64x128xf32, #tpu.memory_space<vmem>>, vector<1x128xf32>,
    %get3A_555 = arith.constant 5504 : index
    %get3A_556 = arith.constant 0 : index
    %get3A_557 = vector.load %arg1[%get3A_555, %get3A_556] : memref<8192x128xf32, #tpu.memory_space<vmem>>, vector<128x128xf32>
    %get3A_558 = arith.constant 5504 : index
    %get3A_559 = arith.constant 0 : index
    %get3A_560 = vector.load %arg2[%get3A_558, %get3A_559] : memref<8192x128xf32, #tpu.memory_space<vmem>>, vector<128x128xf32>
    %sub3A_561 = arith.subf %get3A_557, %get3A_560 : vector<128x128xf32>
    %mul3A_562 = arith.mulf %sub3A_561, %sub3A_561 : vector<128x128xf32>
    %dot_general3A_563 = arith.constant dense<0.000000e+00> : vector<1x128xf32>
    %dot_general3A_564 = tpu.matmul %broadcast_in_dim3A_0, %mul3A_562, %dot_general3A_563 {dimension_numbers = #tpu.dot_dimension_numbers<[1], [1], [0], [0], [0, 0, 1, 0], [], []>, transpose_lhs_hint = false} : vector<1x128xf32>, vector<128x128xf32>, vector<1x128xf32> -> vector<1x128xf32>
    %swap3A_565 = arith.constant 43 : index
    %swap3A_566 = arith.constant 0 : index
    %swap3A_567 = vector.load %arg3[%swap3A_565, %swap3A_566] : memref<64x128xf32, #tpu.memory_space<vmem>>, vector<1x128xf32>
    tpu.vector_store %arg3[%swap3A_565, %swap3A_566], %dot_general3A_564 {strides = array<i32>} : memref<64x128xf32, #tpu.memory_space<vmem>>, vector<1x128xf32>,
    %get3A_568 = arith.constant 5632 : index
    %get3A_569 = arith.constant 0 : index
    %get3A_570 = vector.load %arg1[%get3A_568, %get3A_569] : memref<8192x128xf32, #tpu.memory_space<vmem>>, vector<128x128xf32>
    %get3A_571 = arith.constant 5632 : index
    %get3A_572 = arith.constant 0 : index
    %get3A_573 = vector.load %arg2[%get3A_571, %get3A_572] : memref<8192x128xf32, #tpu.memory_space<vmem>>, vector<128x128xf32>
    %sub3A_574 = arith.subf %get3A_570, %get3A_573 : vector<128x128xf32>
    %mul3A_575 = arith.mulf %sub3A_574, %sub3A_574 : vector<128x128xf32>
    %dot_general3A_576 = arith.constant dense<0.000000e+00> : vector<1x128xf32>
    %dot_general3A_577 = tpu.matmul %broadcast_in_dim3A_0, %mul3A_575, %dot_general3A_576 {dimension_numbers = #tpu.dot_dimension_numbers<[1], [1], [0], [0], [0, 0, 1, 0], [], []>, transpose_lhs_hint = false} : vector<1x128xf32>, vector<128x128xf32>, vector<1x128xf32> -> vector<1x128xf32>
    %swap3A_578 = arith.constant 44 : index
    %swap3A_579 = arith.constant 0 : index
    %swap3A_580 = vector.load %arg3[%swap3A_578, %swap3A_579] : memref<64x128xf32, #tpu.memory_space<vmem>>, vector<1x128xf32>
    tpu.vector_store %arg3[%swap3A_578, %swap3A_579], %dot_general3A_577 {strides = array<i32>} : memref<64x128xf32, #tpu.memory_space<vmem>>, vector<1x128xf32>,
    %get3A_581 = arith.constant 5760 : index
    %get3A_582 = arith.constant 0 : index
    %get3A_583 = vector.load %arg1[%get3A_581, %get3A_582] : memref<8192x128xf32, #tpu.memory_space<vmem>>, vector<128x128xf32>
    %get3A_584 = arith.constant 5760 : index
    %get3A_585 = arith.constant 0 : index
    %get3A_586 = vector.load %arg2[%get3A_584, %get3A_585] : memref<8192x128xf32, #tpu.memory_space<vmem>>, vector<128x128xf32>
    %sub3A_587 = arith.subf %get3A_583, %get3A_586 : vector<128x128xf32>
    %mul3A_588 = arith.mulf %sub3A_587, %sub3A_587 : vector<128x128xf32>
    %dot_general3A_589 = arith.constant dense<0.000000e+00> : vector<1x128xf32>
    %dot_general3A_590 = tpu.matmul %broadcast_in_dim3A_0, %mul3A_588, %dot_general3A_589 {dimension_numbers = #tpu.dot_dimension_numbers<[1], [1], [0], [0], [0, 0, 1, 0], [], []>, transpose_lhs_hint = false} : vector<1x128xf32>, vector<128x128xf32>, vector<1x128xf32> -> vector<1x128xf32>
    %swap3A_591 = arith.constant 45 : index
    %swap3A_592 = arith.constant 0 : index
    %swap3A_593 = vector.load %arg3[%swap3A_591, %swap3A_592] : memref<64x128xf32, #tpu.memory_space<vmem>>, vector<1x128xf32>
    tpu.vector_store %arg3[%swap3A_591, %swap3A_592], %dot_general3A_590 {strides = array<i32>} : memref<64x128xf32, #tpu.memory_space<vmem>>, vector<1x128xf32>,
    %get3A_594 = arith.constant 5888 : index
    %get3A_595 = arith.constant 0 : index
    %get3A_596 = vector.load %arg1[%get3A_594, %get3A_595] : memref<8192x128xf32, #tpu.memory_space<vmem>>, vector<128x128xf32>
    %get3A_597 = arith.constant 5888 : index
    %get3A_598 = arith.constant 0 : index
    %get3A_599 = vector.load %arg2[%get3A_597, %get3A_598] : memref<8192x128xf32, #tpu.memory_space<vmem>>, vector<128x128xf32>
    %sub3A_600 = arith.subf %get3A_596, %get3A_599 : vector<128x128xf32>
    %mul3A_601 = arith.mulf %sub3A_600, %sub3A_600 : vector<128x128xf32>
    %dot_general3A_602 = arith.constant dense<0.000000e+00> : vector<1x128xf32>
    %dot_general3A_603 = tpu.matmul %broadcast_in_dim3A_0, %mul3A_601, %dot_general3A_602 {dimension_numbers = #tpu.dot_dimension_numbers<[1], [1], [0], [0], [0, 0, 1, 0], [], []>, transpose_lhs_hint = false} : vector<1x128xf32>, vector<128x128xf32>, vector<1x128xf32> -> vector<1x128xf32>
    %swap3A_604 = arith.constant 46 : index
    %swap3A_605 = arith.constant 0 : index
    %swap3A_606 = vector.load %arg3[%swap3A_604, %swap3A_605] : memref<64x128xf32, #tpu.memory_space<vmem>>, vector<1x128xf32>
    tpu.vector_store %arg3[%swap3A_604, %swap3A_605], %dot_general3A_603 {strides = array<i32>} : memref<64x128xf32, #tpu.memory_space<vmem>>, vector<1x128xf32>,
    %get3A_607 = arith.constant 6016 : index
    %get3A_608 = arith.constant 0 : index
    %get3A_609 = vector.load %arg1[%get3A_607, %get3A_608] : memref<8192x128xf32, #tpu.memory_space<vmem>>, vector<128x128xf32>
    %get3A_610 = arith.constant 6016 : index
    %get3A_611 = arith.constant 0 : index
    %get3A_612 = vector.load %arg2[%get3A_610, %get3A_611] : memref<8192x128xf32, #tpu.memory_space<vmem>>, vector<128x128xf32>
    %sub3A_613 = arith.subf %get3A_609, %get3A_612 : vector<128x128xf32>
    %mul3A_614 = arith.mulf %sub3A_613, %sub3A_613 : vector<128x128xf32>
    %dot_general3A_615 = arith.constant dense<0.000000e+00> : vector<1x128xf32>
    %dot_general3A_616 = tpu.matmul %broadcast_in_dim3A_0, %mul3A_614, %dot_general3A_615 {dimension_numbers = #tpu.dot_dimension_numbers<[1], [1], [0], [0], [0, 0, 1, 0], [], []>, transpose_lhs_hint = false} : vector<1x128xf32>, vector<128x128xf32>, vector<1x128xf32> -> vector<1x128xf32>
    %swap3A_617 = arith.constant 47 : index
    %swap3A_618 = arith.constant 0 : index
    %swap3A_619 = vector.load %arg3[%swap3A_617, %swap3A_618] : memref<64x128xf32, #tpu.memory_space<vmem>>, vector<1x128xf32>
    tpu.vector_store %arg3[%swap3A_617, %swap3A_618], %dot_general3A_616 {strides = array<i32>} : memref<64x128xf32, #tpu.memory_space<vmem>>, vector<1x128xf32>,
    %get3A_620 = arith.constant 6144 : index
    %get3A_621 = arith.constant 0 : index
    %get3A_622 = vector.load %arg1[%get3A_620, %get3A_621] : memref<8192x128xf32, #tpu.memory_space<vmem>>, vector<128x128xf32>
    %get3A_623 = arith.constant 6144 : index
    %get3A_624 = arith.constant 0 : index
    %get3A_625 = vector.load %arg2[%get3A_623, %get3A_624] : memref<8192x128xf32, #tpu.memory_space<vmem>>, vector<128x128xf32>
    %sub3A_626 = arith.subf %get3A_622, %get3A_625 : vector<128x128xf32>
    %mul3A_627 = arith.mulf %sub3A_626, %sub3A_626 : vector<128x128xf32>
    %dot_general3A_628 = arith.constant dense<0.000000e+00> : vector<1x128xf32>
    %dot_general3A_629 = tpu.matmul %broadcast_in_dim3A_0, %mul3A_627, %dot_general3A_628 {dimension_numbers = #tpu.dot_dimension_numbers<[1], [1], [0], [0], [0, 0, 1, 0], [], []>, transpose_lhs_hint = false} : vector<1x128xf32>, vector<128x128xf32>, vector<1x128xf32> -> vector<1x128xf32>
    %swap3A_630 = arith.constant 48 : index
    %swap3A_631 = arith.constant 0 : index
    %swap3A_632 = vector.load %arg3[%swap3A_630, %swap3A_631] : memref<64x128xf32, #tpu.memory_space<vmem>>, vector<1x128xf32>
    tpu.vector_store %arg3[%swap3A_630, %swap3A_631], %dot_general3A_629 {strides = array<i32>} : memref<64x128xf32, #tpu.memory_space<vmem>>, vector<1x128xf32>,
    %get3A_633 = arith.constant 6272 : index
    %get3A_634 = arith.constant 0 : index
    %get3A_635 = vector.load %arg1[%get3A_633, %get3A_634] : memref<8192x128xf32, #tpu.memory_space<vmem>>, vector<128x128xf32>
    %get3A_636 = arith.constant 6272 : index
    %get3A_637 = arith.constant 0 : index
    %get3A_638 = vector.load %arg2[%get3A_636, %get3A_637] : memref<8192x128xf32, #tpu.memory_space<vmem>>, vector<128x128xf32>
    %sub3A_639 = arith.subf %get3A_635, %get3A_638 : vector<128x128xf32>
    %mul3A_640 = arith.mulf %sub3A_639, %sub3A_639 : vector<128x128xf32>
    %dot_general3A_641 = arith.constant dense<0.000000e+00> : vector<1x128xf32>
    %dot_general3A_642 = tpu.matmul %broadcast_in_dim3A_0, %mul3A_640, %dot_general3A_641 {dimension_numbers = #tpu.dot_dimension_numbers<[1], [1], [0], [0], [0, 0, 1, 0], [], []>, transpose_lhs_hint = false} : vector<1x128xf32>, vector<128x128xf32>, vector<1x128xf32> -> vector<1x128xf32>
    %swap3A_643 = arith.constant 49 : index
    %swap3A_644 = arith.constant 0 : index
    %swap3A_645 = vector.load %arg3[%swap3A_643, %swap3A_644] : memref<64x128xf32, #tpu.memory_space<vmem>>, vector<1x128xf32>
    tpu.vector_store %arg3[%swap3A_643, %swap3A_644], %dot_general3A_642 {strides = array<i32>} : memref<64x128xf32, #tpu.memory_space<vmem>>, vector<1x128xf32>,
    %get3A_646 = arith.constant 6400 : index
    %get3A_647 = arith.constant 0 : index
    %get3A_648 = vector.load %arg1[%get3A_646, %get3A_647] : memref<8192x128xf32, #tpu.memory_space<vmem>>, vector<128x128xf32>
    %get3A_649 = arith.constant 6400 : index
    %get3A_650 = arith.constant 0 : index
    %get3A_651 = vector.load %arg2[%get3A_649, %get3A_650] : memref<8192x128xf32, #tpu.memory_space<vmem>>, vector<128x128xf32>
    %sub3A_652 = arith.subf %get3A_648, %get3A_651 : vector<128x128xf32>
    %mul3A_653 = arith.mulf %sub3A_652, %sub3A_652 : vector<128x128xf32>
    %dot_general3A_654 = arith.constant dense<0.000000e+00> : vector<1x128xf32>
    %dot_general3A_655 = tpu.matmul %broadcast_in_dim3A_0, %mul3A_653, %dot_general3A_654 {dimension_numbers = #tpu.dot_dimension_numbers<[1], [1], [0], [0], [0, 0, 1, 0], [], []>, transpose_lhs_hint = false} : vector<1x128xf32>, vector<128x128xf32>, vector<1x128xf32> -> vector<1x128xf32>
    %swap3A_656 = arith.constant 50 : index
    %swap3A_657 = arith.constant 0 : index
    %swap3A_658 = vector.load %arg3[%swap3A_656, %swap3A_657] : memref<64x128xf32, #tpu.memory_space<vmem>>, vector<1x128xf32>
    tpu.vector_store %arg3[%swap3A_656, %swap3A_657], %dot_general3A_655 {strides = array<i32>} : memref<64x128xf32, #tpu.memory_space<vmem>>, vector<1x128xf32>,
    %get3A_659 = arith.constant 6528 : index
    %get3A_660 = arith.constant 0 : index
    %get3A_661 = vector.load %arg1[%get3A_659, %get3A_660] : memref<8192x128xf32, #tpu.memory_space<vmem>>, vector<128x128xf32>
    %get3A_662 = arith.constant 6528 : index
    %get3A_663 = arith.constant 0 : index
    %get3A_664 = vector.load %arg2[%get3A_662, %get3A_663] : memref<8192x128xf32, #tpu.memory_space<vmem>>, vector<128x128xf32>
    %sub3A_665 = arith.subf %get3A_661, %get3A_664 : vector<128x128xf32>
    %mul3A_666 = arith.mulf %sub3A_665, %sub3A_665 : vector<128x128xf32>
    %dot_general3A_667 = arith.constant dense<0.000000e+00> : vector<1x128xf32>
    %dot_general3A_668 = tpu.matmul %broadcast_in_dim3A_0, %mul3A_666, %dot_general3A_667 {dimension_numbers = #tpu.dot_dimension_numbers<[1], [1], [0], [0], [0, 0, 1, 0], [], []>, transpose_lhs_hint = false} : vector<1x128xf32>, vector<128x128xf32>, vector<1x128xf32> -> vector<1x128xf32>
    %swap3A_669 = arith.constant 51 : index
    %swap3A_670 = arith.constant 0 : index
    %swap3A_671 = vector.load %arg3[%swap3A_669, %swap3A_670] : memref<64x128xf32, #tpu.memory_space<vmem>>, vector<1x128xf32>
    tpu.vector_store %arg3[%swap3A_669, %swap3A_670], %dot_general3A_668 {strides = array<i32>} : memref<64x128xf32, #tpu.memory_space<vmem>>, vector<1x128xf32>,
    %get3A_672 = arith.constant 6656 : index
    %get3A_673 = arith.constant 0 : index
    %get3A_674 = vector.load %arg1[%get3A_672, %get3A_673] : memref<8192x128xf32, #tpu.memory_space<vmem>>, vector<128x128xf32>
    %get3A_675 = arith.constant 6656 : index
    %get3A_676 = arith.constant 0 : index
    %get3A_677 = vector.load %arg2[%get3A_675, %get3A_676] : memref<8192x128xf32, #tpu.memory_space<vmem>>, vector<128x128xf32>
    %sub3A_678 = arith.subf %get3A_674, %get3A_677 : vector<128x128xf32>
    %mul3A_679 = arith.mulf %sub3A_678, %sub3A_678 : vector<128x128xf32>
    %dot_general3A_680 = arith.constant dense<0.000000e+00> : vector<1x128xf32>
    %dot_general3A_681 = tpu.matmul %broadcast_in_dim3A_0, %mul3A_679, %dot_general3A_680 {dimension_numbers = #tpu.dot_dimension_numbers<[1], [1], [0], [0], [0, 0, 1, 0], [], []>, transpose_lhs_hint = false} : vector<1x128xf32>, vector<128x128xf32>, vector<1x128xf32> -> vector<1x128xf32>
    %swap3A_682 = arith.constant 52 : index
    %swap3A_683 = arith.constant 0 : index
    %swap3A_684 = vector.load %arg3[%swap3A_682, %swap3A_683] : memref<64x128xf32, #tpu.memory_space<vmem>>, vector<1x128xf32>
    tpu.vector_store %arg3[%swap3A_682, %swap3A_683], %dot_general3A_681 {strides = array<i32>} : memref<64x128xf32, #tpu.memory_space<vmem>>, vector<1x128xf32>,
    %get3A_685 = arith.constant 6784 : index
    %get3A_686 = arith.constant 0 : index
    %get3A_687 = vector.load %arg1[%get3A_685, %get3A_686] : memref<8192x128xf32, #tpu.memory_space<vmem>>, vector<128x128xf32>
    %get3A_688 = arith.constant 6784 : index
    %get3A_689 = arith.constant 0 : index
    %get3A_690 = vector.load %arg2[%get3A_688, %get3A_689] : memref<8192x128xf32, #tpu.memory_space<vmem>>, vector<128x128xf32>
    %sub3A_691 = arith.subf %get3A_687, %get3A_690 : vector<128x128xf32>
    %mul3A_692 = arith.mulf %sub3A_691, %sub3A_691 : vector<128x128xf32>
    %dot_general3A_693 = arith.constant dense<0.000000e+00> : vector<1x128xf32>
    %dot_general3A_694 = tpu.matmul %broadcast_in_dim3A_0, %mul3A_692, %dot_general3A_693 {dimension_numbers = #tpu.dot_dimension_numbers<[1], [1], [0], [0], [0, 0, 1, 0], [], []>, transpose_lhs_hint = false} : vector<1x128xf32>, vector<128x128xf32>, vector<1x128xf32> -> vector<1x128xf32>
    %swap3A_695 = arith.constant 53 : index
    %swap3A_696 = arith.constant 0 : index
    %swap3A_697 = vector.load %arg3[%swap3A_695, %swap3A_696] : memref<64x128xf32, #tpu.memory_space<vmem>>, vector<1x128xf32>
    tpu.vector_store %arg3[%swap3A_695, %swap3A_696], %dot_general3A_694 {strides = array<i32>} : memref<64x128xf32, #tpu.memory_space<vmem>>, vector<1x128xf32>,
    %get3A_698 = arith.constant 6912 : index
    %get3A_699 = arith.constant 0 : index
    %get3A_700 = vector.load %arg1[%get3A_698, %get3A_699] : memref<8192x128xf32, #tpu.memory_space<vmem>>, vector<128x128xf32>
    %get3A_701 = arith.constant 6912 : index
    %get3A_702 = arith.constant 0 : index
    %get3A_703 = vector.load %arg2[%get3A_701, %get3A_702] : memref<8192x128xf32, #tpu.memory_space<vmem>>, vector<128x128xf32>
    %sub3A_704 = arith.subf %get3A_700, %get3A_703 : vector<128x128xf32>
    %mul3A_705 = arith.mulf %sub3A_704, %sub3A_704 : vector<128x128xf32>
    %dot_general3A_706 = arith.constant dense<0.000000e+00> : vector<1x128xf32>
    %dot_general3A_707 = tpu.matmul %broadcast_in_dim3A_0, %mul3A_705, %dot_general3A_706 {dimension_numbers = #tpu.dot_dimension_numbers<[1], [1], [0], [0], [0, 0, 1, 0], [], []>, transpose_lhs_hint = false} : vector<1x128xf32>, vector<128x128xf32>, vector<1x128xf32> -> vector<1x128xf32>
    %swap3A_708 = arith.constant 54 : index
    %swap3A_709 = arith.constant 0 : index
    %swap3A_710 = vector.load %arg3[%swap3A_708, %swap3A_709] : memref<64x128xf32, #tpu.memory_space<vmem>>, vector<1x128xf32>
    tpu.vector_store %arg3[%swap3A_708, %swap3A_709], %dot_general3A_707 {strides = array<i32>} : memref<64x128xf32, #tpu.memory_space<vmem>>, vector<1x128xf32>,
    %get3A_711 = arith.constant 7040 : index
    %get3A_712 = arith.constant 0 : index
    %get3A_713 = vector.load %arg1[%get3A_711, %get3A_712] : memref<8192x128xf32, #tpu.memory_space<vmem>>, vector<128x128xf32>
    %get3A_714 = arith.constant 7040 : index
    %get3A_715 = arith.constant 0 : index
    %get3A_716 = vector.load %arg2[%get3A_714, %get3A_715] : memref<8192x128xf32, #tpu.memory_space<vmem>>, vector<128x128xf32>
    %sub3A_717 = arith.subf %get3A_713, %get3A_716 : vector<128x128xf32>
    %mul3A_718 = arith.mulf %sub3A_717, %sub3A_717 : vector<128x128xf32>
    %dot_general3A_719 = arith.constant dense<0.000000e+00> : vector<1x128xf32>
    %dot_general3A_720 = tpu.matmul %broadcast_in_dim3A_0, %mul3A_718, %dot_general3A_719 {dimension_numbers = #tpu.dot_dimension_numbers<[1], [1], [0], [0], [0, 0, 1, 0], [], []>, transpose_lhs_hint = false} : vector<1x128xf32>, vector<128x128xf32>, vector<1x128xf32> -> vector<1x128xf32>
    %swap3A_721 = arith.constant 55 : index
    %swap3A_722 = arith.constant 0 : index
    %swap3A_723 = vector.load %arg3[%swap3A_721, %swap3A_722] : memref<64x128xf32, #tpu.memory_space<vmem>>, vector<1x128xf32>
    tpu.vector_store %arg3[%swap3A_721, %swap3A_722], %dot_general3A_720 {strides = array<i32>} : memref<64x128xf32, #tpu.memory_space<vmem>>, vector<1x128xf32>,
    %get3A_724 = arith.constant 7168 : index
    %get3A_725 = arith.constant 0 : index
    %get3A_726 = vector.load %arg1[%get3A_724, %get3A_725] : memref<8192x128xf32, #tpu.memory_space<vmem>>, vector<128x128xf32>
    %get3A_727 = arith.constant 7168 : index
    %get3A_728 = arith.constant 0 : index
    %get3A_729 = vector.load %arg2[%get3A_727, %get3A_728] : memref<8192x128xf32, #tpu.memory_space<vmem>>, vector<128x128xf32>
    %sub3A_730 = arith.subf %get3A_726, %get3A_729 : vector<128x128xf32>
    %mul3A_731 = arith.mulf %sub3A_730, %sub3A_730 : vector<128x128xf32>
    %dot_general3A_732 = arith.constant dense<0.000000e+00> : vector<1x128xf32>
    %dot_general3A_733 = tpu.matmul %broadcast_in_dim3A_0, %mul3A_731, %dot_general3A_732 {dimension_numbers = #tpu.dot_dimension_numbers<[1], [1], [0], [0], [0, 0, 1, 0], [], []>, transpose_lhs_hint = false} : vector<1x128xf32>, vector<128x128xf32>, vector<1x128xf32> -> vector<1x128xf32>
    %swap3A_734 = arith.constant 56 : index
    %swap3A_735 = arith.constant 0 : index
    %swap3A_736 = vector.load %arg3[%swap3A_734, %swap3A_735] : memref<64x128xf32, #tpu.memory_space<vmem>>, vector<1x128xf32>
    tpu.vector_store %arg3[%swap3A_734, %swap3A_735], %dot_general3A_733 {strides = array<i32>} : memref<64x128xf32, #tpu.memory_space<vmem>>, vector<1x128xf32>,
    %get3A_737 = arith.constant 7296 : index
    %get3A_738 = arith.constant 0 : index
    %get3A_739 = vector.load %arg1[%get3A_737, %get3A_738] : memref<8192x128xf32, #tpu.memory_space<vmem>>, vector<128x128xf32>
    %get3A_740 = arith.constant 7296 : index
    %get3A_741 = arith.constant 0 : index
    %get3A_742 = vector.load %arg2[%get3A_740, %get3A_741] : memref<8192x128xf32, #tpu.memory_space<vmem>>, vector<128x128xf32>
    %sub3A_743 = arith.subf %get3A_739, %get3A_742 : vector<128x128xf32>
    %mul3A_744 = arith.mulf %sub3A_743, %sub3A_743 : vector<128x128xf32>
    %dot_general3A_745 = arith.constant dense<0.000000e+00> : vector<1x128xf32>
    %dot_general3A_746 = tpu.matmul %broadcast_in_dim3A_0, %mul3A_744, %dot_general3A_745 {dimension_numbers = #tpu.dot_dimension_numbers<[1], [1], [0], [0], [0, 0, 1, 0], [], []>, transpose_lhs_hint = false} : vector<1x128xf32>, vector<128x128xf32>, vector<1x128xf32> -> vector<1x128xf32>
    %swap3A_747 = arith.constant 57 : index
    %swap3A_748 = arith.constant 0 : index
    %swap3A_749 = vector.load %arg3[%swap3A_747, %swap3A_748] : memref<64x128xf32, #tpu.memory_space<vmem>>, vector<1x128xf32>
    tpu.vector_store %arg3[%swap3A_747, %swap3A_748], %dot_general3A_746 {strides = array<i32>} : memref<64x128xf32, #tpu.memory_space<vmem>>, vector<1x128xf32>,
    %get3A_750 = arith.constant 7424 : index
    %get3A_751 = arith.constant 0 : index
    %get3A_752 = vector.load %arg1[%get3A_750, %get3A_751] : memref<8192x128xf32, #tpu.memory_space<vmem>>, vector<128x128xf32>
    %get3A_753 = arith.constant 7424 : index
    %get3A_754 = arith.constant 0 : index
    %get3A_755 = vector.load %arg2[%get3A_753, %get3A_754] : memref<8192x128xf32, #tpu.memory_space<vmem>>, vector<128x128xf32>
    %sub3A_756 = arith.subf %get3A_752, %get3A_755 : vector<128x128xf32>
    %mul3A_757 = arith.mulf %sub3A_756, %sub3A_756 : vector<128x128xf32>
    %dot_general3A_758 = arith.constant dense<0.000000e+00> : vector<1x128xf32>
    %dot_general3A_759 = tpu.matmul %broadcast_in_dim3A_0, %mul3A_757, %dot_general3A_758 {dimension_numbers = #tpu.dot_dimension_numbers<[1], [1], [0], [0], [0, 0, 1, 0], [], []>, transpose_lhs_hint = false} : vector<1x128xf32>, vector<128x128xf32>, vector<1x128xf32> -> vector<1x128xf32>
    %swap3A_760 = arith.constant 58 : index
    %swap3A_761 = arith.constant 0 : index
    %swap3A_762 = vector.load %arg3[%swap3A_760, %swap3A_761] : memref<64x128xf32, #tpu.memory_space<vmem>>, vector<1x128xf32>
    tpu.vector_store %arg3[%swap3A_760, %swap3A_761], %dot_general3A_759 {strides = array<i32>} : memref<64x128xf32, #tpu.memory_space<vmem>>, vector<1x128xf32>,
    %get3A_763 = arith.constant 7552 : index
    %get3A_764 = arith.constant 0 : index
    %get3A_765 = vector.load %arg1[%get3A_763, %get3A_764] : memref<8192x128xf32, #tpu.memory_space<vmem>>, vector<128x128xf32>
    %get3A_766 = arith.constant 7552 : index
    %get3A_767 = arith.constant 0 : index
    %get3A_768 = vector.load %arg2[%get3A_766, %get3A_767] : memref<8192x128xf32, #tpu.memory_space<vmem>>, vector<128x128xf32>
    %sub3A_769 = arith.subf %get3A_765, %get3A_768 : vector<128x128xf32>
    %mul3A_770 = arith.mulf %sub3A_769, %sub3A_769 : vector<128x128xf32>
    %dot_general3A_771 = arith.constant dense<0.000000e+00> : vector<1x128xf32>
    %dot_general3A_772 = tpu.matmul %broadcast_in_dim3A_0, %mul3A_770, %dot_general3A_771 {dimension_numbers = #tpu.dot_dimension_numbers<[1], [1], [0], [0], [0, 0, 1, 0], [], []>, transpose_lhs_hint = false} : vector<1x128xf32>, vector<128x128xf32>, vector<1x128xf32> -> vector<1x128xf32>
    %swap3A_773 = arith.constant 59 : index
    %swap3A_774 = arith.constant 0 : index
    %swap3A_775 = vector.load %arg3[%swap3A_773, %swap3A_774] : memref<64x128xf32, #tpu.memory_space<vmem>>, vector<1x128xf32>
    tpu.vector_store %arg3[%swap3A_773, %swap3A_774], %dot_general3A_772 {strides = array<i32>} : memref<64x128xf32, #tpu.memory_space<vmem>>, vector<1x128xf32>,
    %get3A_776 = arith.constant 7680 : index
    %get3A_777 = arith.constant 0 : index
    %get3A_778 = vector.load %arg1[%get3A_776, %get3A_777] : memref<8192x128xf32, #tpu.memory_space<vmem>>, vector<128x128xf32>
    %get3A_779 = arith.constant 7680 : index
    %get3A_780 = arith.constant 0 : index
    %get3A_781 = vector.load %arg2[%get3A_779, %get3A_780] : memref<8192x128xf32, #tpu.memory_space<vmem>>, vector<128x128xf32>
    %sub3A_782 = arith.subf %get3A_778, %get3A_781 : vector<128x128xf32>
    %mul3A_783 = arith.mulf %sub3A_782, %sub3A_782 : vector<128x128xf32>
    %dot_general3A_784 = arith.constant dense<0.000000e+00> : vector<1x128xf32>
    %dot_general3A_785 = tpu.matmul %broadcast_in_dim3A_0, %mul3A_783, %dot_general3A_784 {dimension_numbers = #tpu.dot_dimension_numbers<[1], [1], [0], [0], [0, 0, 1, 0], [], []>, transpose_lhs_hint = false} : vector<1x128xf32>, vector<128x128xf32>, vector<1x128xf32> -> vector<1x128xf32>
    %swap3A_786 = arith.constant 60 : index
    %swap3A_787 = arith.constant 0 : index
    %swap3A_788 = vector.load %arg3[%swap3A_786, %swap3A_787] : memref<64x128xf32, #tpu.memory_space<vmem>>, vector<1x128xf32>
    tpu.vector_store %arg3[%swap3A_786, %swap3A_787], %dot_general3A_785 {strides = array<i32>} : memref<64x128xf32, #tpu.memory_space<vmem>>, vector<1x128xf32>,
    %get3A_789 = arith.constant 7808 : index
    %get3A_790 = arith.constant 0 : index
    %get3A_791 = vector.load %arg1[%get3A_789, %get3A_790] : memref<8192x128xf32, #tpu.memory_space<vmem>>, vector<128x128xf32>
    %get3A_792 = arith.constant 7808 : index
    %get3A_793 = arith.constant 0 : index
    %get3A_794 = vector.load %arg2[%get3A_792, %get3A_793] : memref<8192x128xf32, #tpu.memory_space<vmem>>, vector<128x128xf32>
    %sub3A_795 = arith.subf %get3A_791, %get3A_794 : vector<128x128xf32>
    %mul3A_796 = arith.mulf %sub3A_795, %sub3A_795 : vector<128x128xf32>
    %dot_general3A_797 = arith.constant dense<0.000000e+00> : vector<1x128xf32>
    %dot_general3A_798 = tpu.matmul %broadcast_in_dim3A_0, %mul3A_796, %dot_general3A_797 {dimension_numbers = #tpu.dot_dimension_numbers<[1], [1], [0], [0], [0, 0, 1, 0], [], []>, transpose_lhs_hint = false} : vector<1x128xf32>, vector<128x128xf32>, vector<1x128xf32> -> vector<1x128xf32>
    %swap3A_799 = arith.constant 61 : index
    %swap3A_800 = arith.constant 0 : index
    %swap3A_801 = vector.load %arg3[%swap3A_799, %swap3A_800] : memref<64x128xf32, #tpu.memory_space<vmem>>, vector<1x128xf32>
    tpu.vector_store %arg3[%swap3A_799, %swap3A_800], %dot_general3A_798 {strides = array<i32>} : memref<64x128xf32, #tpu.memory_space<vmem>>, vector<1x128xf32>,
    %get3A_802 = arith.constant 7936 : index
    %get3A_803 = arith.constant 0 : index
    %get3A_804 = vector.load %arg1[%get3A_802, %get3A_803] : memref<8192x128xf32, #tpu.memory_space<vmem>>, vector<128x128xf32>
    %get3A_805 = arith.constant 7936 : index
    %get3A_806 = arith.constant 0 : index
    %get3A_807 = vector.load %arg2[%get3A_805, %get3A_806] : memref<8192x128xf32, #tpu.memory_space<vmem>>, vector<128x128xf32>
    %sub3A_808 = arith.subf %get3A_804, %get3A_807 : vector<128x128xf32>
    %mul3A_809 = arith.mulf %sub3A_808, %sub3A_808 : vector<128x128xf32>
    %dot_general3A_810 = arith.constant dense<0.000000e+00> : vector<1x128xf32>
    %dot_general3A_811 = tpu.matmul %broadcast_in_dim3A_0, %mul3A_809, %dot_general3A_810 {dimension_numbers = #tpu.dot_dimension_numbers<[1], [1], [0], [0], [0, 0, 1, 0], [], []>, transpose_lhs_hint = false} : vector<1x128xf32>, vector<128x128xf32>, vector<1x128xf32> -> vector<1x128xf32>
    %swap3A_812 = arith.constant 62 : index
    %swap3A_813 = arith.constant 0 : index
    %swap3A_814 = vector.load %arg3[%swap3A_812, %swap3A_813] : memref<64x128xf32, #tpu.memory_space<vmem>>, vector<1x128xf32>
    tpu.vector_store %arg3[%swap3A_812, %swap3A_813], %dot_general3A_811 {strides = array<i32>} : memref<64x128xf32, #tpu.memory_space<vmem>>, vector<1x128xf32>,
    %get3A_815 = arith.constant 8064 : index
    %get3A_816 = arith.constant 0 : index
    %get3A_817 = vector.load %arg1[%get3A_815, %get3A_816] : memref<8192x128xf32, #tpu.memory_space<vmem>>, vector<128x128xf32>
    %get3A_818 = arith.constant 8064 : index
    %get3A_819 = arith.constant 0 : index
    %get3A_820 = vector.load %arg2[%get3A_818, %get3A_819] : memref<8192x128xf32, #tpu.memory_space<vmem>>, vector<128x128xf32>
    %sub3A_821 = arith.subf %get3A_817, %get3A_820 : vector<128x128xf32>
    %mul3A_822 = arith.mulf %sub3A_821, %sub3A_821 : vector<128x128xf32>
    %dot_general3A_823 = arith.constant dense<0.000000e+00> : vector<1x128xf32>
    %dot_general3A_824 = tpu.matmul %broadcast_in_dim3A_0, %mul3A_822, %dot_general3A_823 {dimension_numbers = #tpu.dot_dimension_numbers<[1], [1], [0], [0], [0, 0, 1, 0], [], []>, transpose_lhs_hint = false} : vector<1x128xf32>, vector<128x128xf32>, vector<1x128xf32> -> vector<1x128xf32>
    %swap3A_825 = arith.constant 63 : index
    %swap3A_826 = arith.constant 0 : index
    %swap3A_827 = vector.load %arg3[%swap3A_825, %swap3A_826] : memref<64x128xf32, #tpu.memory_space<vmem>>, vector<1x128xf32>
    tpu.vector_store %arg3[%swap3A_825, %swap3A_826], %dot_general3A_824 {strides = array<i32>} : memref<64x128xf32, #tpu.memory_space<vmem>>, vector<1x128xf32>,
    return
  }
  func.func @transform_0(%arg0: i32) -> (i32, i32) {
    %c0_i32 = arith.constant 0 : i32
    %c0_i32_0 = arith.constant 0 : i32
    return %arg0, %c0_i32 : i32, i32
  }
  func.func @transform_1(%arg0: i32) -> (i32, i32) {
    %c0_i32 = arith.constant 0 : i32
    %c0_i32_0 = arith.constant 0 : i32
    return %arg0, %c0_i32 : i32, i32
  }
  func.func @transform_2(%arg0: i32) -> (i32, i32) {
    %c0_i32 = arith.constant 0 : i32
    %c0_i32_0 = arith.constant 0 : i32
    return %arg0, %c0_i32 : i32, i32
  }
}

</mosaic_0001>

<sc_bundles>
// kernel: kernel.5.cloned.1.call-start
scs
__scs_entry_jumppad:
0x0: {  	(pc) =	sbr.rel $0x88, $3  }
0x1: {  	(tag) =	ssettag $0x0;
	lr =	simm.s32 $0x1  }
0x2: {  	[smem:$0x3F9D] =	sst lr;
	_ =	strace $0xD0000000  }
0x3: {  	_ = 	snop  }
0x4: {  	_ = 	snop  }
0x5: {  	_ = 	snop  }
0x6: {  	_ = 	snop  }
0x7: {  	_ = 	snop  }
__scs_overlays_trampoline_lowered:
0x8: {  	[smem:$0x3FAC] =	sst s0  }
0x9: {  	[smem:$0x3FAD] =	sst s1  }
0xa: {  	[smem:$0x3FAE] =	sst s2  }
0xb: {  	[smem:$0x3FAF] =	sst s3  }
0xc: {  	[smem:$0x3FB0] =	sst s4  }
0xd: {  	[smem:$0x3FB1] =	sst s5  }
0xe: {  	[smem:$0x3FB2] =	sst s6  }
0xf: {  	[smem:$0x3FB3] =	sst s7  }
0x10: {  	[smem:$0x3FB4] =	sst s8  }
0x11: {  	[smem:$0x3FB5] =	sst s9;
	s0 =	simm.s32 @!p0 $0x0  }
0x12: {  	s1 =	sld [smem:$0x3F9B];
	s0 =	simm.s32 @p0 $0x1  }
0x13: {  	[smem:$0x3FB6] =	sst s0;
	s0 =	simm.s32 @!p1 $0x0  }
0x14: {  	s2 =	sld [smem:$0x3F9A];
	s0 =	simm.s32 @p1 $0x1  }
0x15: {  	[smem:$0x3FB7] =	sst s0;
	s0 =	simm.s32 @!p2 $0x0  }
0x16: {  	s3 =	sld [smem:$0x3FDB];
	s0 =	simm.s32 @p2 $0x1  }
0x17: {  	s4 =	simm.s32 $0x1BF5;
	[smem:$0x3FB9] =	sst s0  }
0x18: {  	s0 =	sld [smem:$0x3F9C];
	_ =	swait.ge [sflag:s4], $0x0  }
0x19: {  	s7 =	sld [smem:$0x3F9D]  }
0x1a: {  	s8 =	sadd.s32 $0xFFFFE003, lr  }
0x1b: {  	s9 =	sadd.s32 $0xFFFFFEF7, lr;
	s5 =	simm.s32 $0xFFFFFFFF;
	p2 =	slt.u32 s8, $0xFFFFF086  }
0x1c: {  	p1 =	slt.u32 s9, $0xF7A;
	s5 =	simm.s32 @!p2 $0x0  }
0x1d: {  	s5 =	simm.s32 @p1 $0x1;
	p0 =	seq.s32 s7, s2  }
0x1e: {  	s7 =	smul.u32 @!p0 $0xF7A, s2;
	p2 =	seq.s32 @!p0 s5, $0x0  }
0x1f: {  	s9 =	smul.u32 $0xF7A, s1;
	s8 =	simm.s32 @!p0 $0x1BF5;
	p2 =	por !p2, p0  }
0x20: {  	[sflag:s8] =	ssyncset.s32 @!p0 $0xFFFFF086;
	s6 =	sadd.s32 @!p0 s3, s7;
	s7 =	simm.s32 @!p0 $0x108  }
0x21: {  	s3 =	sadd.s32 s3, s9;
	s6 =	sadd.s32 @!p0 $0x88, s6;
	s7 =	simm.s32 @p2 $0x1082  }
0x22: {  	[simem:s7], [sflag:s8] =	dma.local @!p0 [hbm:s6], $0xF7A  }
0x23: {  	s9 =	sor.u32 $0xD0000000, s2;
	s6 =	simm.s32 $0x108;
	_ =	swait.ge @!p0 [sflag:s8], $0x0  }
0x24: {  	s3 =	sadd.s32 $0x88, s3;
	s6 =	simm.s32 @!p1 $0x1082;
	[sflag:s4] =	ssyncset.s32 $0xFFFFF086  }
0x25: {  	[simem:s6], [sflag:s4] =	dma.local [hbm:s3], $0xF7A  }
0x26: {  	[smem:$0x3F9D] =	sst s1;
	(tag) =	ssettag s2;
	_ =	strace s9  }
0x27: {  	s1 =	sld [smem:$0x3FAD]  }
0x28: {  	s2 =	sld [smem:$0x3FAE]  }
0x29: {  	s4 =	sld [smem:$0x3FB0]  }
0x2a: {  	p0 =	seq.s32 s5, $0x0;
	s5 =	sld [smem:$0x3FB1]  }
0x2b: {  	s6 =	sld [smem:$0x3FB2]  }
0x2c: {  	s7 =	sld [smem:$0x3FB3]  }
0x2d: {  	s3 =	simm.s32 $0x108;
	s8 =	sld [smem:$0x3FB4]  }
0x2e: {  	s3 =	simm.s32 @!p0 $0x1082;
	s9 =	sld [smem:$0x3FB5]  }
0x2f: {  	lr =	sadd.s32 s0, s3;
	s0 =	sld [smem:$0x3FAC]  }
0x30: {  	s3 =	sld [smem:$0x3FAF]  }
0x31: {  	[smem:$0x3FB8] =	sst s10  }
0x32: {  	s10 =	sld [smem:$0x3FB6];
	_ =	sdelay $0x3  }
0x33: {  	p0 =	seq.s32 s10, $0x1;
	s10 =	sld [smem:$0x3FB8];
	_ =	sdelay $0x3  }
0x34: {  	[smem:$0x3FB8] =	sst s10  }
0x35: {  	s10 =	sld [smem:$0x3FB7];
	_ =	sdelay $0x3  }
0x36: {  	p1 =	seq.s32 s10, $0x1;
	s10 =	sld [smem:$0x3FB8];
	_ =	sdelay $0x3  }
0x37: {  	[smem:$0x3FB8] =	sst s10  }
0x38: {  	s10 =	sld [smem:$0x3FB9]  }
0x39: {  	_ = 	snop;
	(pc) =	sbr.ind lr, $3  }
0x3a: {  	_ = 	snop  }
0x3b: {  	_ = 	snop  }
0x3c: {  	p2 =	seq.s32 s10, $0x1;
	s10 =	sld [smem:$0x3FB8]  }
0x3d: {  	_ =	shalt  }
0x3e: {  	_ =	shalt  }
0x3f: {  	_ =	shalt  }
0x40: {  	_ =	shalt  }
0x41: {  	_ =	shalt  }
0x42: {  	_ =	shalt  }
0x43: {  	_ =	shalt  }
0x44: {  	_ =	shalt  }
0x45: {  	_ =	shalt  }
0x46: {  	_ =	shalt  }
0x47: {  	_ =	shalt  }
0x48: {  	_ =	shalt  }
0x49: {  	_ =	shalt  }
0x4a: {  	_ =	shalt  }
0x4b: {  	_ =	shalt  }
0x4c: {  	_ =	shalt  }
0x4d: {  	_ =	shalt  }
0x4e: {  	_ =	shalt  }
0x4f: {  	_ =	shalt  }
0x50: {  	_ =	shalt  }
0x51: {  	_ =	shalt  }
0x52: {  	_ =	shalt  }
0x53: {  	_ =	shalt  }
0x54: {  	_ =	shalt  }
0x55: {  	_ =	shalt  }
0x56: {  	_ =	shalt  }
0x57: {  	_ =	shalt  }
0x58: {  	_ =	shalt  }
0x59: {  	_ =	shalt  }
0x5a: {  	_ =	shalt  }
0x5b: {  	_ =	shalt  }
0x5c: {  	_ =	shalt  }
0x5d: {  	_ =	shalt  }
0x5e: {  	_ =	shalt  }
0x5f: {  	_ =	shalt  }
0x60: {  	_ =	shalt  }
0x61: {  	_ =	shalt  }
0x62: {  	_ =	shalt  }
0x63: {  	_ =	shalt  }
0x64: {  	_ =	shalt  }
0x65: {  	_ =	shalt  }
0x66: {  	_ =	shalt  }
0x67: {  	_ =	shalt  }
0x68: {  	_ =	shalt  }
0x69: {  	_ =	shalt  }
0x6a: {  	_ =	shalt  }
0x6b: {  	_ =	shalt  }
0x6c: {  	_ =	shalt  }
0x6d: {  	_ =	shalt  }
0x6e: {  	_ =	shalt  }
0x6f: {  	_ =	shalt  }
0x70: {  	_ =	shalt  }
0x71: {  	_ =	shalt  }
0x72: {  	_ =	shalt  }
0x73: {  	_ =	shalt  }
0x74: {  	_ =	shalt  }
0x75: {  	_ =	shalt  }
0x76: {  	_ =	shalt  }
0x77: {  	_ =	shalt  }
0x78: {  	_ =	shalt  }
0x79: {  	_ =	shalt  }
0x7a: {  	_ =	shalt  }
0x7b: {  	_ =	shalt  }
0x7c: {  	_ =	shalt  }
0x7d: {  	_ =	shalt  }
0x7e: {  	_ =	shalt  }
0x7f: {  	_ =	shalt  }
0x80: {  	_ =	shalt  }
0x81: {  	_ =	shalt  }
0x82: {  	_ =	shalt  }
0x83: {  	_ =	shalt  }
0x84: {  	_ =	shalt  }
0x85: {  	_ =	shalt  }
0x86: {  	_ =	shalt  }
0x87: {  	_ =	shalt  }
.Lfunc_end0:
.L_simem_size_0:
called_computation_lowered:
.L_overlay_start_0:
0x88: {  	s2 =	sld [smem:$0x3FD9]  }
0x89: {  	s3 =	sld [smem:$0x3FFE];
	_ =	sdelay $0x1  }
0x8a: {  	s1 =	srdreg.scid  }
0x8b: {  	s0 =	sand.u32 $0x1, s1  }
0x8c: {  	s17 =	sshll.u32 s0, $0xA;
	s2 =	sadd.s32 s3, s2  }
0x8d: {  	s2 =	sadd.s32 s2, s17  }
0x8e: {  	[smem:$0x3FC4] =	sst s2  }
0x8f: {  	_ = 	snop  }
0x90: {  	s2 =	sld [smem:$0x3FC9]  }
0x91: {  	s18 =	sld [smem:$0x3FC8];
	(tm) =	ssettm $0x1  }
0x92: {  	s4 =	sld [smem:$0x3FFB];
	_ =	sdelay $0x3  }
0x93: {  	_ =	strace s4  }
0x94: {  	s4 =	sld [smem:$0x3FFC];
	_ =	sdelay $0x3  }
0x95: {  	_ =	strace s4  }
0x96: {  	s4 =	sld [smem:$0x3FFD];
	_ =	sdelay $0x3  }
0x97: {  	_ =	strace s4  }
0x98: {  	_ =	strace $0x8FFFFFFF  }
0x99: {  	s19 =	sld [smem:$0x3FDB];
	_ =	sdelay $0x1  }
0x9a: {  	s5 =	simm.s32 $_scs_section_size  }
0x9b: {  	s6 =	simm.s32 $_size__tile_overlayer_lowered;
	s7 =	simm.s32 $_tile_overlayer_lowered  }
0x9c: {  	s22 =	simm.s32 $0x1BFF;
	s21 =	sshll.u32 s7, $0x1;
	s4 =	sadd.s32 s5, s19  }
0x9d: {  	s8 =	simm.s32 $0x0;
	s20 =	sshll.u32 s6, $0x1;
	s6 =	sadd.s32 s21, s4  }
0x9e: {  	[timem:s8], [sflag:s22] =	dma.local [hbm:s6], s20  }
0x9f: {  	_ =	swait.ge [sflag:s22], s20  }
0xa0: {  	s5 =	ssub.s32 $0x0, s20;
	[sflag:s22] =	ssyncset.done $0x0  }
0xa1: {  	[sflag:s22] =	ssyncadd.s32 s5;
	_ =	sdelay $0x1  }
0xa2: {  	s23 =	simm.s32 $0x1B8B  }
0xa3: {  	_ =	swait.ge [sflag:s23], $0x1  }
0xa4: {  	[sflag:s23] =	ssyncset.done $0x0  }
0xa5: {  	s25 =	simm.s32 $0x1B8E;
	s24 =	sld [smem:$0x3FFE];
	[sflag:s23] =	ssyncadd.s32 $0xFFFFFFFF  }
0xa6: {  	s26 =	simm.s32 $execute0_lowered;
	[smem:$0x3FD2] =	sst s25  }
0xa7: {  	s6 =	sshll.u32 s26, $0x1;
	_ =	strace $0x80000046;
	[dreg:$0x1] =	wrdreg $0xFFFFFFFF  }
0xa8: {  	s28 =	simm.s32 $_size_execute0_lowered;
	s4 =	sadd.s32 s4, s6;
	[dreg:$0x0] =	wrdreg $0x0  }
0xa9: {  	s6 =	sshll.u32 s28, $0x1;
	[dreg:$0x2] =	wrdreg s4  }
0xaa: {  	[dreg:$0x3] =	wrdreg s6  }
0xab: {  	[dreg:$0x4] =	wrdreg $0xC0  }
0xac: {  	_ =	task [dreg:s8], $0x5FFFF  }
0xad: {  	[dreg:$0x1] =	wrdreg $0xFFFFFFFF  }
0xae: {  	[dreg:$0x0] =	wrdreg $0x60  }
0xaf: {  	[dreg:$0x2] =	wrdreg s2  }
0xb0: {  	[dreg:$0x3] =	wrdreg s18  }
0xb1: {  	[dreg:$0x4] =	wrdreg s24  }
0xb2: {  	[dreg:$0x5] =	wrdreg $0x7000  }
0xb3: {  	[dreg:$0x6] =	wrdreg $0x9  }
0xb4: {  	_ =	task.clear_ibuf [dreg:s8], $0x7FFFF;
	_ =	strace $0x90000046  }
0xb5: {  	s29 =	simm.s32 $0x9;
	_ =	strace $0x80000048  }
0xb6: {  	_ =	swait.ge [sflag:s29], $0x1  }
0xb7: {  	[sflag:s29] =	ssyncadd.s32 $0xFFFFFFFF  }
0xb8: {  	_ =	strace $0x90000048  }
0xb9: {  	_ =	sfence  }
0xba: {  	s30 =	sld [smem:$0x0];
	_ =	sdelay $0x2  }
0xbb: {  	s31 =	sshll.u32 s1, $0xD;
	s1 =	sshrl.u32 s1, $0x2  }
0xbc: {  	s3 =	sand.u32 $0x4000, s31;
	s1 =	sadd.s32 s1, s30  }
0xbd: {  	s0 =	sor.u32 s3, s0;
	s1 =	sshll.u32 s1, $0x11  }
0xbe: {  	s0 =	sor.u32 s1, s0  }
0xbf: {  	s0 =	sadd.s32 $0x8F2B, s0  }
0xc0: {  	[sflag:s0] =	ssyncadd.remote.s32 $0x1  }
0xc1: {  	_ =	sfence.sel $0xFFFF  }
0xc2: {  	[dreg:$0x0] =	wrdreg $0xFFFFFFFF;
	(pc) =	sbr.abs _section_cstart, $3  }
0xc3: {  	[dreg:$0x1] =	wrdreg $0xFFFFFFFF  }
0xc4: {  	_ =	task.clear_ibuf [dreg:s8], $0x2FFFF;
	_ =	strace $0x9FFFFFFF  }
0xc5: {  	(tm) =	ssettm $0x7FFFFFFF  }
tec
execute0_lowered:
.L_overlay_start_1:
0x0: {  	(tag) =	ssettag $0x1  }
0x1: {  	s4 =	rddreg [dreg:$0x0]  }
0x2: {  	s5 =	rddreg [dreg:$0x1]  }
0x3: {  	s6 =	rddreg [dreg:$0x2]  }
0x4: {  	s1 =	rddreg [dreg:$0x3]  }
0x5: {  	s0 =	rddreg [dreg:$0x4];
	s2 =	simm.s32 $0x0  }
0x6: {  	s3 =	srdreg.scid;
	s10 =	simm.s32 $0x100;
	s11 =	simm.s32 $0x300  }
0x7: {  	s12 =	simm.s32 $0x80;
	s13 =	simm.s32 $0x200;
	s14 =	simm.s32 $0x280  }
0x8: {  	s15 =	simm.s32 $0x180;
	s18 =	simm.s32 $0x20;
	s19 =	simm.s32 $0x10  }
0x9: {  	s20 =	simm.s32 $0x0;
	[smem:$0x7FF] =	sst s2;
	s7 =	sand.u32 $0x1, s3  }
0xa: {  	s3 =	stileid.u32;
	_ =	strace $0x80000047;
	s8 =	sshll.u32 s7, $0x4  }
0xb: {  	s9 =	ssub.s32 $0x2, s7;
	s16 =	sshll.u32 s3, $0x6;
	s7 =	sshll.u32 s7, $0x5  }
0xc: {  	s30 =	sshll.u32 s3, $0x8;
	s31 =	sshll.u32 s3, $0xA;
	s6 =	sadd.s32 s8, s6  }
0xd: {  	s29 =	sshrl.u32 s9, $0x1;
	s7 =	sor.u32 s7, s16;
	s16 =	sor.u32 $0x1C01, s16  }
0xe: {  	s8 =	ssub.s32 s9, s29;
	s4 =	sadd.s32 s4, s7;
	s9 =	sadd.s32 s30, s6  }
0xf: {  	s5 =	sadd.s32 s5, s7;
	s6 =	sadd.s32 s31, s1;
	s7 =	sadd.s32 $0xA00, s9  }
0x10: {  	v0 =	vimm.f32 $2.000000030e-01;
	v1 =	vimm.f32 $8.000000110e-01;
	v2 =	vimm.f32 $0.0e+00;
	s8 =	smax.u32 s8, $0x1;
	s9 =	simm.s32 $0x1;
	s17 =	sshrl.u32 s6, $0x3  }
.LBB2_1:
0x11: {  	[tilespmem:s2], [sflag:$0x1] =	stream.linear.gather [hbm4b:s4+s2], $0x100, $0x38;
	[tilespmem:$0xB00] =	vst v63  }
0x12: {  	_ =	swait.ge [sflag:s9], $0x100  }
0x13: {  	[sflag:s9] =	ssyncset.done $0x0  }
0x14: {  	[sflag:s9] =	ssyncadd.s32 $0xFFFFFF00  }
0x15: {  	[tilespmem:s10], [sflag:$0x1] =	stream.linear.gather [hbm4b:s5+s2], $0x100, $0x38;
	[tilespmem:$0xB00] =	vst v63  }
0x16: {  	_ =	swait.ge [sflag:s9], $0x100  }
0x17: {  	[sflag:s9] =	ssyncset.done $0x0  }
0x18: {  	[sflag:s9] =	ssyncadd.s32 $0xFFFFFF00  }
0x19: {  	[tilespmem:$0x200] =	vst v0  }
0x1a: {  	[tilespmem:$0x280] =	vst v1  }
0x1b: {  	[tilespmem:$0x210] =	vst v0  }
0x1c: {  	[tilespmem:$0x290] =	vst v1  }
0x1d: {  	[tilespmem:$0x220] =	vst v0  }
0x1e: {  	[tilespmem:$0x2A0] =	vst v1  }
0x1f: {  	[tilespmem:$0x230] =	vst v0  }
0x20: {  	[tilespmem:$0x2B0] =	vst v1  }
0x21: {  	[tilespmem:$0x240] =	vst v0  }
0x22: {  	[tilespmem:$0x2C0] =	vst v1  }
0x23: {  	[tilespmem:$0x250] =	vst v0  }
0x24: {  	[tilespmem:$0x2D0] =	vst v1  }
0x25: {  	[tilespmem:$0x260] =	vst v0  }
0x26: {  	[tilespmem:$0x2E0] =	vst v1  }
0x27: {  	[tilespmem:$0x270] =	vst v0  }
0x28: {  	s21 =	simm.s32 $0x40;
	s22 =	simm.s32 $0x0;
	[tilespmem:$0x2F0] =	vst v1  }
.LBB2_2:
0x29: {  	p0 =	sne.s32 s21, $0xFC0;
	[tilespmem:s22+$0x300] =	vst v2;
	s22 =	smov.u32 s21;
	s21 =	sadd.s32 $0x40, s21  }
.Ltmp0:
0x2a: {  	(pc) =	sbr.rel @p0 .LBB2_2-.Ltmp0, $2  }
0x2b: {  	_ =	sdelay $0x2  }
0x2c: {  	s22 =	sshra.s32 s22, $0x2  }
0x2d: {  	[tilespmem:s22+$0x300] =	vst v2  }
0x2e: {  	[spmem:s6] =	stream.linear.scatter [tilespmem:s11], [sflag:$0x1], $0x400, $0x38;
	[tilespmem:$0xB00] =	vst v63  }
0x2f: {  	_ =	swait.ge [sflag:s9], $0x400  }
0x30: {  	[sflag:s9] =	ssyncset.done $0x0  }
0x31: {  	[sflag:s9] =	ssyncadd.s32 $0xFFFFFC00  }
0x32: {  	[bflag:$0x0] =	sbarrier.arrive $0xFFFF  }
0x33: {  	[spmem:s1] =	stream.indirect.scatter.add.f32 [tilespmem:s13], [sflag:$0x1], $0x1, s2, s12, $0xb8;
	[tilespmem:$0xB00] =	vst v63  }
0x34: {  	_ =	swait.ge [sflag:s9], $0x80  }
0x35: {  	[sflag:s9] =	ssyncset.done $0x0  }
0x36: {  	[sflag:s9] =	ssyncadd.s32 $0xFFFFFF80  }
0x37: {  	[spmem:s1] =	stream.indirect.scatter.add.f32 [tilespmem:s14], [sflag:$0x1], $0x1, s10, s12, $0xb8;
	[tilespmem:$0xB00] =	vst v63  }
0x38: {  	_ =	swait.ge [sflag:s9], $0x80  }
0x39: {  	[sflag:s9] =	ssyncset.done $0x0  }
0x3a: {  	[sflag:s9] =	ssyncadd.s32 $0xFFFFFF80  }
0x3b: {  	[spmem:s1] =	stream.indirect.scatter.add.f32 [tilespmem:s13], [sflag:$0x1], $0x1, s12, s12, $0xb8;
	[tilespmem:$0xB00] =	vst v63  }
0x3c: {  	_ =	swait.ge [sflag:s9], $0x80  }
0x3d: {  	[sflag:s9] =	ssyncset.done $0x0  }
0x3e: {  	[sflag:s9] =	ssyncadd.s32 $0xFFFFFF80  }
0x3f: {  	[spmem:s1] =	stream.indirect.scatter.add.f32 [tilespmem:s14], [sflag:$0x1], $0x1, s15, s12, $0xb8;
	[tilespmem:$0xB00] =	vst v63  }
0x40: {  	_ =	swait.ge [sflag:s9], $0x80  }
0x41: {  	s20 =	sadd.s32 $0x1, s20;
	[sflag:s9] =	ssyncset.done $0x0  }
0x42: {  	p0 =	sne.s32 s20, s8;
	[sflag:s9] =	ssyncadd.s32 $0xFFFFFF80  }
.Ltmp1:
0x43: {  	[bflag:$0x0] =	sbarrier.arrive $0xFFFF;
	(pc) =	sbr.rel @p0 .LBB2_1-.Ltmp1, $4  }
0x44: {  	[hbm:s7@s18], [sflag:s16] =	dma.strided [spmem:s17@s19], $0x80, s9, $0x10   }
0x45: {  	_ =	swait.ge [sflag:s9], $0x80  }
0x46: {  	[sflag:s9] =	ssyncset.done $0x0  }
0x47: {  	[sflag:s9] =	ssyncadd.s32 $0xFFFFFF80  }
0x48: {  	_ =	sfence.sel $0x180000  }
0x49: {  	[bflag:$0x0] =	sbarrier.arrive $0xFFFF  }
0x4a: {  	p0 =	sne.s32 s3, $0x0;
	_ =	strace $0x90000047  }
0x4b: {  	s0 =	sadd.s32 @!p0 $0x100000, s0;
	[bflag:$0x2] =	sbarrier.arrive $0xFFFF  }
0x4c: {  	[sflag:s0] =	ssyncadd.tile.s32 @!p0 $0x1;
	_ =	shalt  }
.Lfunc_end2:
_tile_overlayer_lowered:
.L_overlay_start_2:
0x4d: {  	(tag) =	ssettag $0x2  }
0x4e: {  	s0 =	rddreg [dreg:$0x0];
	s2 =	stileid.u32  }
0x4f: {  	s1 =	rddreg [dreg:$0x1];
	p0 =	sne.s32 s2, $0x0  }
0x50: {  	s3 =	rddreg [dreg:$0x2];
	[bflag:$0x3] =	sbarrier.arrive $0xFFFF;
	s2 =	simm.s32 @!p0 $0x1C01  }
0x51: {  	[timem:s3], [sflag:s2] =	dma.local @!p0 [hbm:s0], s1  }
0x52: {  	s0 =	simm.s32 @!p0 $0x1  }
0x53: {  	_ =	swait.ge @!p0 [sflag:s0], s1  }
0x54: {  	s1 =	ssub.s32 @!p0 $0x0, s1;
	[sflag:s0] =	ssyncset.done @!p0 $0x0  }
0x55: {  	[sflag:s0] =	ssyncadd.s32 @!p0 s1  }
0x56: {  	[bflag:$0x3] =	sbarrier.arrive $0xFFFF  }
0x57: {  	_ =	shalt  }

</sc_bundles>
